<compile_context>
chip_gen: v7x
topology: tpu7x:2x2x1
jax: 0.10.2.dev20260603
libtpu: 0.0.44.dev20260713+nightly
codegen_flags: <defaults>
</compile_context>

<pallas_src>
import functools

import jax
import jax.numpy as jnp
from jax.experimental import pallas as pl
from jax.experimental.pallas import tpu as pltpu
import jax.experimental.pallas.tpu_sc as plsc

NB = 255
LOG2E = 1.4426950408889634

TR = 256
TC_BR = 8192


def _tc_body(x_ref, c_ref, o_ref):
    cT = c_ref[...]
    nt = x_ref.shape[0] // TR

    def tile(t, _):
        x = x_ref[pl.ds(t * TR, TR), :]
        xT = x.T
        e = jnp.exp2(xT * LOG2E)
        s = jnp.sum(e, axis=0, keepdims=True)
        w = jnp.sum(e * cT, axis=0, keepdims=True)
        v = w / s
        y = jnp.sign(v) * (jnp.exp2(jnp.abs(v) * LOG2E) - 1.0)
        o_ref[:, :, pl.ds(t * TR, TR)] = y[None]
        return 0

    jax.lax.fori_loop(0, nt, tile, 0, unroll=16)


def _tc_part(logits, centers, k):
    n, nb = logits.shape
    grid = (k // TC_BR,)
    cT = centers.reshape(nb, 1)
    out = pl.pallas_call(
        _tc_body,
        grid=grid,
        in_specs=[
            pl.BlockSpec((TC_BR, nb), lambda i: (i, 0)),
            pl.BlockSpec((nb, 1), lambda i: (0, 0)),
        ],
        out_specs=pl.BlockSpec((1, 1, TC_BR), lambda i: (i, 0, 0)),
        out_shape=jax.ShapeDtypeStruct((k // TC_BR, 1, TC_BR), logits.dtype),
        compiler_params=pltpu.CompilerParams(
            dimension_semantics=("parallel",),
        ),
    )(logits, cT)
    return out.reshape(k)


SC_RB = 128


def _sc_block(x_vmem, c_vmem, s_vmem, w_vmem):
    @pl.loop(0, SC_RB)
    def _(r):
        z = jnp.zeros((16,), jnp.float32)

        def chunk(kk, carry):
            s, w = carry
            xv = x_vmem[r, pl.ds(kk * 16, 16)]
            cv = c_vmem[pl.ds(kk * 16, 16)]
            e = jnp.exp(xv)
            return s + e, w + e * cv

        s, w = jax.lax.fori_loop(0, 15, chunk, (z, z), unroll=5)
        xv = x_vmem[r, pl.ds(NB - 16, 16)]
        m0 = c_vmem[pl.ds(256, 16)]
        cm = c_vmem[pl.ds(272, 16)]
        e = jnp.exp(xv)
        s = s + e * m0
        w = w + e * cm
        s_vmem[pl.ds(r * 16, 16)] = s
        w_vmem[pl.ds(r * 16, 16)] = w


def _sc_part(x, c_pad, k, m):
    mesh = plsc.VectorSubcoreMesh(core_axis_name="c", subcore_axis_name="s")
    blk = k // SC_RB

    @pl.kernel(
        out_type=(
            jax.ShapeDtypeStruct((m * 16,), jnp.float32),
            jax.ShapeDtypeStruct((m * 16,), jnp.float32),
        ),
        mesh=mesh,
    )
    def run(x_hbm, c_hbm, s_hbm, w_hbm):
        pltpu.emit_pipeline(
            _sc_block,
            grid=(m // SC_RB,),
            in_specs=[
                pl.BlockSpec((SC_RB, NB), lambda i: (i + blk, 0)),
                pl.BlockSpec((288,), lambda i: (0,)),
            ],
            out_specs=[
                pl.BlockSpec((SC_RB * 16,), lambda i: (i,)),
                pl.BlockSpec((SC_RB * 16,), lambda i: (i,)),
            ],
            core_axis_name=("c", "s"),
            dimension_semantics=(pltpu.PARALLEL,),
        )(x_hbm, c_hbm, s_hbm, w_hbm)

    return run(x, c_pad)


FB = 8192


def _fin_body(s_ref, w_ref, o_ref):
    def tile(t, _):
        sp = s_ref[pl.ds(t * TR, TR), :]
        wp = w_ref[pl.ds(t * TR, TR), :]
        spT = sp.T
        wpT = wp.T
        s = jnp.sum(spT, axis=0, keepdims=True)
        w = jnp.sum(wpT, axis=0, keepdims=True)
        v = w / s
        y = jnp.sign(v) * (jnp.exp2(jnp.abs(v) * LOG2E) - 1.0)
        o_ref[:, :, pl.ds(t * TR, TR)] = y[None]
        return 0

    jax.lax.fori_loop(0, FB // TR, tile, 0, unroll=8)


def _fin_part(s_flat, w_flat, m):
    s2 = s_flat.reshape(m, 16)
    w2 = w_flat.reshape(m, 16)
    out = pl.pallas_call(
        _fin_body,
        grid=(m // FB,),
        in_specs=[
            pl.BlockSpec((FB, 16), lambda i: (i, 0)),
            pl.BlockSpec((FB, 16), lambda i: (i, 0)),
        ],
        out_specs=pl.BlockSpec((1, 1, FB), lambda i: (i, 0, 0)),
        out_shape=jax.ShapeDtypeStruct((m // FB, 1, FB), jnp.float32),
        compiler_params=pltpu.CompilerParams(
            dimension_semantics=("parallel",),
        ),
    )(s2, w2)
    return out.reshape(m)


SC_ROWS = 16384


@functools.partial(jax.jit, static_argnames=())
def kernel(logits, centers):
    n, nb = logits.shape
    k = n - SC_ROWS
    m0 = jnp.ones((16,), jnp.float32).at[0].set(0.0)
    cm = centers[NB - 16:] * m0
    c_pad = jnp.concatenate(
        [centers, jnp.zeros((1,), centers.dtype), m0, cm])
    s_flat, w_flat = _sc_part(logits, c_pad, k, SC_ROWS)
    out_tc = _tc_part(logits, centers, k)
    out_sc = _fin_part(s_flat, w_flat, SC_ROWS)
    return jnp.concatenate([out_tc, out_sc])

# --- scband reference (transcript-rebuilt; emitter-appended) ---
"""Pipeline reference for scband-symlog-dist-35639638622694 (READ-ONLY COPY).

The authoritative reference and input builder live on the scoring server;
editing this copy changes nothing except your own understanding.
"""

import jax, jax.numpy as jnp
import numpy as np

NUM_BINS = 255
LOW = -20.0
HIGH = 20.0


def setup_inputs(seed: int = 0) -> dict:
    key = jax.random.key(seed)
    logits = jax.random.normal(key, (131072, NUM_BINS), dtype=jnp.float32)
    edges = jnp.linspace(LOW, HIGH, NUM_BINS + 1).astype(jnp.float32)
    centers = (edges[:-1] + edges[1:]) / 2.0
    return {"logits": logits, "centers": centers}


def reference(logits, centers):
    # forward: logits -> expected value via softmax-weighted bin centers, then symexp
    probs = jax.nn.softmax(logits, axis=-1)
    symlog_value = jnp.sum(probs * centers, axis=-1)
    return jnp.sign(symlog_value) * (jnp.exp(jnp.abs(symlog_value)) - 1.0)

if __name__ == "__main__":
    import jax
    _d = setup_inputs()
    print(jax.jit(kernel)(*tuple(_d.values())))

</pallas_src>

<mosaic_0001>
#map = affine_map<(d0, d1) -> (0, 0)>
#map1 = affine_map<(d0, d1) -> (0)>
module attributes {stable_mosaic.version = 14 : i64} {
  func.func @run(%arg0: i32, %arg1: i32, %arg2: memref<131072x255xf32, #tpu.memory_space<hbm>>, %arg3: memref<288xf32, #tpu.memory_space<hbm>>, %arg4: memref<262144xf32, #tpu.memory_space<hbm>>, %arg5: memref<262144xf32, #tpu.memory_space<hbm>>) attributes {dimension_semantics = [#tpu.dimension_semantics<core_parallel>, #tpu.dimension_semantics<subcore_parallel>], iteration_bounds = array<i64: 2, 16>, scalar_prefetch = 0 : i64, scratch_operands = 0 : i64, tpu.core_type = #tpu.core_type<sc_vector_subcore>, window_params = [{transform_indices = #map}, {transform_indices = #map1}, {transform_indices = #map1}, {transform_indices = #map1}]} {
    %mul3A = arith.constant 1 : i32
    %mul3A_0 = arith.muli %arg1, %mul3A : i32
    %add3A = arith.constant 0 : i32
    %add3A_1 = arith.addi %add3A, %mul3A_0 : i32
    %mul3A_2 = arith.constant 16 : i32
    %mul3A_3 = arith.muli %arg0, %mul3A_2 : i32
    %add3A_4 = arith.addi %add3A_1, %mul3A_3 : i32
    %mul3A_5 = arith.constant 4 : i32
    %mul3A_6 = arith.muli %add3A_4, %mul3A_5 : i32
    "tpu.region"() ({
      %run_scoped3A = memref.alloca() : memref<2x128x255xf32, #tpu.memory_space<vmem>>
      %run_scoped3A_7 = tpu.sem_alloc : memref<2x!tpu.dma_semaphore, #tpu.memory_space<semaphore_mem>>
      %run_scoped3A_8 = memref.alloca() : memref<288xf32, #tpu.memory_space<vmem>>
      %run_scoped3A_9 = memref.alloca() : memref<4096xf32, #tpu.memory_space<vmem>>
      %run_scoped3A_10 = tpu.sem_alloc : memref<2x!tpu.dma_semaphore, #tpu.memory_space<semaphore_mem>>
      %run_scoped3A_11 = memref.alloca() : memref<4096xf32, #tpu.memory_space<vmem>>
      %run_scoped3A_12 = tpu.sem_alloc : memref<2x!tpu.dma_semaphore, #tpu.memory_space<semaphore_mem>>
      %add3A_13 = arith.constant 0 : i32
      %add3A_14 = arith.addi %add3A_13, %mul3A_6 : i32
      %select_n3A = arith.constant true
      %select_n3A_15 = arith.constant 0 : i32
      %select_n3A_16 = arith.constant -1 : i32
      %select_n3A_17 = arith.select %select_n3A, %select_n3A_16, %select_n3A_15 : i32
      %eq3A = arith.constant -1 : i32
      %eq3A_18 = arith.cmpi eq, %select_n3A_17, %eq3A : i32
      %select_n3A_19 = arith.constant 3 : i32
      %select_n3A_20 = arith.select %eq3A_18, %select_n3A_19, %select_n3A_17 : i32
      %add3A_21 = arith.addi %select_n3A_20, %mul3A_6 : i32
      %select_n3A_22 = arith.constant true
      %select_n3A_23 = arith.constant 0 : i32
      %select_n3A_24 = arith.constant 1 : i32
      %select_n3A_25 = arith.select %select_n3A_22, %select_n3A_24, %select_n3A_23 : i32
      %eq3A_26 = arith.constant 4 : i32
      %eq3A_27 = arith.cmpi eq, %select_n3A_25, %eq3A_26 : i32
      %select_n3A_28 = arith.constant 0 : i32
      %select_n3A_29 = arith.select %eq3A_27, %select_n3A_28, %select_n3A_25 : i32
      %add3A_30 = arith.addi %select_n3A_29, %mul3A_6 : i32
      %add3A_31 = arith.constant 1 : i32
      %add3A_32 = arith.addi %select_n3A_29, %add3A_31 : i32
      %select_n3A_33 = arith.constant true
      %select_n3A_34 = arith.select %select_n3A_33, %add3A_32, %select_n3A_29 : i32
      %eq3A_35 = arith.constant 4 : i32
      %eq3A_36 = arith.cmpi eq, %select_n3A_34, %eq3A_35 : i32
      %select_n3A_37 = arith.constant 0 : i32
      %select_n3A_38 = arith.select %eq3A_36, %select_n3A_37, %select_n3A_34 : i32
      %add3A_39 = arith.addi %select_n3A_38, %mul3A_6 : i32
      "tpu.region"() ({
        %run_scoped3A_140 = tpu.sem_alloc : memref<!tpu.dma_semaphore, #tpu.memory_space<semaphore_mem>>
        tpu.enqueue_dma source(%arg3 : memref<288xf32, #tpu.memory_space<hbm>>) target(%run_scoped3A_8 : memref<288xf32, #tpu.memory_space<vmem>>) target_semaphore(%run_scoped3A_140 : memref<!tpu.dma_semaphore, #tpu.memory_space<semaphore_mem>>)
        tpu.wait_dma2 semaphore(%run_scoped3A_140 : memref<!tpu.dma_semaphore, #tpu.memory_space<semaphore_mem>>) src(%arg3 : memref<288xf32, #tpu.memory_space<hbm>>) dst(%run_scoped3A_8 : memref<288xf32, #tpu.memory_space<vmem>>)
        tpu.yield
      }) : () -> ()
      "tpu.trace_start"() <{level = 10 : i32, message = "ep_initialize_0"}> : () -> ()
      %rem3A = arith.constant 0 : i32
      %rem3A_40 = arith.constant 2 : i32
      %rem3A_41 = arith.remui %rem3A, %rem3A_40 : i32
      %add3A_42 = arith.constant 896 : i32
      %add3A_43 = arith.addi %add3A_14, %add3A_42 : i32
      %mul3A_44 = arith.constant 128 : i32
      %mul3A_45 = arith.muli %mul3A_44, %add3A_43 : i32
      %dma_start3A = arith.constant 0 : i32
      %dma_start3A_46 = arith.constant 0 : i32
      %dma_start3A_47 = tpu.memref_slice %run_scoped3A[%rem3A_41, %dma_start3A, %dma_start3A_46] : memref<2x128x255xf32, #tpu.memory_space<vmem>> -> memref<1x128x255xf32, #tpu.memory_space<vmem>>
      %dma_start3A_48 = tpu.memref_squeeze %dma_start3A_47 : memref<1x128x255xf32, #tpu.memory_space<vmem>> -> memref<128x255xf32, #tpu.memory_space<vmem>>
      %dma_start3A_49 = arith.constant 0 : i32
      %dma_start3A_50 = tpu.memref_slice %arg2[%mul3A_45, %dma_start3A_49] : memref<131072x255xf32, #tpu.memory_space<hbm>> -> memref<128x255xf32, #tpu.memory_space<hbm>>
      %dma_start3A_51 = tpu.memref_slice %run_scoped3A_7[%rem3A_41] : memref<2x!tpu.dma_semaphore, #tpu.memory_space<semaphore_mem>> -> memref<1x!tpu.dma_semaphore, #tpu.memory_space<semaphore_mem>>
      %dma_start3A_52 = tpu.memref_squeeze %dma_start3A_51 : memref<1x!tpu.dma_semaphore, #tpu.memory_space<semaphore_mem>> -> memref<!tpu.dma_semaphore, #tpu.memory_space<semaphore_mem>>
      %dma_start3A_53 = arith.constant 0 : i32
      %dma_start3A_54 = arith.constant 0 : i32
      %dma_start3A_55 = tpu.memref_slice %run_scoped3A[%rem3A_41, %dma_start3A_53, %dma_start3A_54] : memref<2x128x255xf32, #tpu.memory_space<vmem>> -> memref<1x128x255xf32, #tpu.memory_space<vmem>>
      %dma_start3A_56 = tpu.memref_squeeze %dma_start3A_55 : memref<1x128x255xf32, #tpu.memory_space<vmem>> -> memref<128x255xf32, #tpu.memory_space<vmem>>
      %dma_start3A_57 = arith.constant 0 : i32
      %dma_start3A_58 = tpu.memref_slice %arg2[%mul3A_45, %dma_start3A_57] : memref<131072x255xf32, #tpu.memory_space<hbm>> -> memref<128x255xf32, #tpu.memory_space<hbm>>
      tpu.enqueue_dma source(%dma_start3A_58 : memref<128x255xf32, #tpu.memory_space<hbm>>) target(%dma_start3A_56 : memref<128x255xf32, #tpu.memory_space<vmem>>) target_semaphore(%dma_start3A_52 : memref<!tpu.dma_semaphore, #tpu.memory_space<semaphore_mem>>)
      %add3A_59 = arith.constant 0 : i32
      %add3A_60 = arith.constant 1 : i32
      %add3A_61 = arith.addi %add3A_59, %add3A_60 : i32
      %select_n3A_62 = arith.constant true
      %select_n3A_63 = arith.constant 0 : i32
      %select_n3A_64 = arith.select %select_n3A_62, %add3A_61, %select_n3A_63 : i32
      "tpu.trace_stop"() : () -> ()
      %scan3A = arith.constant 0 : i32
      %scan3A_65 = arith.constant 0 : i32
      %scan3A_66 = arith.constant 0 : i32
      %scan3A_67 = arith.constant 0 : i32
      %scan3A_68 = arith.constant 0 : i32
      %scan3A_69 = arith.constant 0 : i32
      %scan3A_70 = arith.constant 0 : i32
      %scan3A_71 = arith.constant 0 : i32
      %scan3A_72 = arith.constant 0 : i32
      %scan3A_73 = arith.constant 4 : i32
      %scan3A_74 = arith.addi %scan3A_72, %scan3A_73 : i32
      %scan3A_75 = arith.constant 1 : i32
      %scan3A_76:8 = scf.for %scan3A_140 = %scan3A_72 to %scan3A_74 step %scan3A_75 iter_args(%scan3A_141 = %select_n3A_64, %scan3A_142 = %scan3A_65, %scan3A_143 = %scan3A_66, %scan3A_144 = %scan3A_67, %scan3A_145 = %scan3A_68, %scan3A_146 = %scan3A_69, %scan3A_147 = %scan3A_70, %scan3A_148 = %scan3A_71) -> (i32, i32, i32, i32, i32, i32, i32, i32)  : i32 {
        %eq3A_149 = arith.constant 0 : i32
        %eq3A_150 = arith.cmpi eq, %scan3A_140, %eq3A_149 : i32
        %eq3A_151 = arith.constant 3 : i32
        %eq3A_152 = arith.cmpi eq, %scan3A_140, %eq3A_151 : i32
        %add3A_153 = arith.addi %scan3A_148, %mul3A_6 : i32
        %sub3A_154 = arith.constant 1 : i32
        %sub3A_155 = arith.subi %scan3A_148, %sub3A_154 : i32
        %select_n3A_156 = arith.constant true
        %select_n3A_157 = arith.select %select_n3A_156, %sub3A_155, %scan3A_148 : i32
        %eq3A_158 = arith.constant -1 : i32
        %eq3A_159 = arith.cmpi eq, %select_n3A_157, %eq3A_158 : i32
        %select_n3A_160 = arith.constant 3 : i32
        %select_n3A_161 = arith.select %eq3A_159, %select_n3A_160, %select_n3A_157 : i32
        %add3A_162 = arith.addi %select_n3A_161, %mul3A_6 : i32
        %add3A_163 = arith.constant 1 : i32
        %add3A_164 = arith.addi %scan3A_148, %add3A_163 : i32
        %select_n3A_165 = arith.constant true
        %select_n3A_166 = arith.select %select_n3A_165, %add3A_164, %scan3A_148 : i32
        %eq3A_167 = arith.constant 4 : i32
        %eq3A_168 = arith.cmpi eq, %select_n3A_166, %eq3A_167 : i32
        %select_n3A_169 = arith.constant 0 : i32
        %select_n3A_170 = arith.select %eq3A_168, %select_n3A_169, %select_n3A_166 : i32
        %add3A_171 = arith.addi %select_n3A_170, %mul3A_6 : i32
        %add3A_172 = arith.constant 1 : i32
        %add3A_173 = arith.addi %select_n3A_170, %add3A_172 : i32
        %select_n3A_174 = arith.constant true
        %select_n3A_175 = arith.select %select_n3A_174, %add3A_173, %select_n3A_170 : i32
        %eq3A_176 = arith.constant 4 : i32
        %eq3A_177 = arith.cmpi eq, %select_n3A_175, %eq3A_176 : i32
        %select_n3A_178 = arith.constant 0 : i32
        %select_n3A_179 = arith.select %eq3A_177, %select_n3A_178, %select_n3A_175 : i32
        %add3A_180 = arith.addi %select_n3A_179, %mul3A_6 : i32
        %add3A_181 = arith.constant 896 : i32
        %add3A_182 = arith.addi %add3A_153, %add3A_181 : i32
        %add3A_183 = arith.constant 896 : i32
        %add3A_184 = arith.addi %add3A_171, %add3A_183 : i32
        %ne3A = arith.cmpi ne, %add3A_182, %add3A_184 : i32
        %or3A = arith.constant false
        %or3A_185 = arith.ori %or3A, %ne3A : i1
        %or3A_186 = arith.constant false
        %or3A_187 = arith.ori %or3A_185, %or3A_186 : i1
        %ge3A = arith.constant 3 : i32
        %ge3A_188 = arith.cmpi sge, %scan3A_140, %ge3A : i32
        %not3A = arith.constant true
        %not3A_189 = arith.xori %ge3A_188, %not3A : i1
        %and3A = arith.andi %or3A_187, %not3A_189 : i1
        %convert_element_type3A = arith.extui %and3A : i1 to i32
        %cond3A = arith.constant 0 : i32
        %cond3A_190 = arith.cmpi ne, %convert_element_type3A, %cond3A : i32
        scf.if %cond3A_190 {
          "tpu.trace_start"() <{level = 10 : i32, message = "ep_copy_in"}> : () -> ()
          %rem3A_364 = arith.constant 2 : i32
          %rem3A_365 = arith.remui %scan3A_141, %rem3A_364 : i32
          %add3A_366 = arith.constant 896 : i32
          %add3A_367 = arith.addi %add3A_171, %add3A_366 : i32
          %mul3A_368 = arith.constant 128 : i32
          %mul3A_369 = arith.muli %mul3A_368, %add3A_367 : i32
          %dma_start3A_370 = arith.constant 0 : i32
          %dma_start3A_371 = arith.constant 0 : i32
          %dma_start3A_372 = tpu.memref_slice %run_scoped3A[%rem3A_365, %dma_start3A_370, %dma_start3A_371] : memref<2x128x255xf32, #tpu.memory_space<vmem>> -> memref<1x128x255xf32, #tpu.memory_space<vmem>>
          %dma_start3A_373 = tpu.memref_squeeze %dma_start3A_372 : memref<1x128x255xf32, #tpu.memory_space<vmem>> -> memref<128x255xf32, #tpu.memory_space<vmem>>
          %dma_start3A_374 = arith.constant 0 : i32
          %dma_start3A_375 = tpu.memref_slice %arg2[%mul3A_369, %dma_start3A_374] : memref<131072x255xf32, #tpu.memory_space<hbm>> -> memref<128x255xf32, #tpu.memory_space<hbm>>
          %dma_start3A_376 = tpu.memref_slice %run_scoped3A_7[%rem3A_365] : memref<2x!tpu.dma_semaphore, #tpu.memory_space<semaphore_mem>> -> memref<1x!tpu.dma_semaphore, #tpu.memory_space<semaphore_mem>>
          %dma_start3A_377 = tpu.memref_squeeze %dma_start3A_376 : memref<1x!tpu.dma_semaphore, #tpu.memory_space<semaphore_mem>> -> memref<!tpu.dma_semaphore, #tpu.memory_space<semaphore_mem>>
          %dma_start3A_378 = arith.constant 0 : i32
          %dma_start3A_379 = arith.constant 0 : i32
          %dma_start3A_380 = tpu.memref_slice %run_scoped3A[%rem3A_365, %dma_start3A_378, %dma_start3A_379] : memref<2x128x255xf32, #tpu.memory_space<vmem>> -> memref<1x128x255xf32, #tpu.memory_space<vmem>>
          %dma_start3A_381 = tpu.memref_squeeze %dma_start3A_380 : memref<1x128x255xf32, #tpu.memory_space<vmem>> -> memref<128x255xf32, #tpu.memory_space<vmem>>
          %dma_start3A_382 = arith.constant 0 : i32
          %dma_start3A_383 = tpu.memref_slice %arg2[%mul3A_369, %dma_start3A_382] : memref<131072x255xf32, #tpu.memory_space<hbm>> -> memref<128x255xf32, #tpu.memory_space<hbm>>
          tpu.enqueue_dma source(%dma_start3A_383 : memref<128x255xf32, #tpu.memory_space<hbm>>) target(%dma_start3A_381 : memref<128x255xf32, #tpu.memory_space<vmem>>) target_semaphore(%dma_start3A_377 : memref<!tpu.dma_semaphore, #tpu.memory_space<semaphore_mem>>)
          "tpu.trace_stop"() : () -> ()
        } else {
        }
        %and3A_191 = arith.constant true
        %and3A_192 = arith.andi %and3A, %and3A_191 : i1
        %add3A_193 = arith.constant 1 : i32
        %add3A_194 = arith.addi %scan3A_141, %add3A_193 : i32
        %select_n3A_195 = arith.select %and3A_192, %add3A_194, %scan3A_141 : i32
        %ne3A_196 = arith.cmpi ne, %add3A_153, %add3A_171 : i32
        %or3A_197 = arith.constant false
        %or3A_198 = arith.ori %or3A_197, %ne3A_196 : i1
        %ge3A_199 = arith.constant 3 : i32
        %ge3A_200 = arith.cmpi sge, %scan3A_140, %ge3A_199 : i32
        %not3A_201 = arith.constant true
        %not3A_202 = arith.xori %ge3A_200, %not3A_201 : i1
        %and3A_203 = arith.andi %or3A_198, %not3A_202 : i1
        %ne3A_204 = arith.cmpi ne, %add3A_153, %add3A_171 : i32
        %or3A_205 = arith.constant false
        %or3A_206 = arith.ori %or3A_205, %ne3A_204 : i1
        %ge3A_207 = arith.constant 3 : i32
        %ge3A_208 = arith.cmpi sge, %scan3A_140, %ge3A_207 : i32
        %not3A_209 = arith.constant true
        %not3A_210 = arith.xori %ge3A_208, %not3A_209 : i1
        %and3A_211 = arith.andi %or3A_206, %not3A_210 : i1
        %add3A_212 = arith.constant 896 : i32
        %add3A_213 = arith.addi %add3A_153, %add3A_212 : i32
        %add3A_214 = arith.constant 896 : i32
        %add3A_215 = arith.addi %add3A_162, %add3A_214 : i32
        %ne3A_216 = arith.cmpi ne, %add3A_213, %add3A_215 : i32
        %or3A_217 = arith.constant false
        %or3A_218 = arith.ori %or3A_217, %ne3A_216 : i1
        %or3A_219 = arith.constant false
        %or3A_220 = arith.ori %or3A_218, %or3A_219 : i1
        %or3A_221 = arith.ori %or3A_220, %eq3A_150 : i1
        %convert_element_type3A_222 = arith.extui %or3A_221 : i1 to i32
        %cond3A_223 = arith.constant 0 : i32
        %cond3A_224 = arith.cmpi ne, %convert_element_type3A_222, %cond3A_223 : i32
        scf.if %cond3A_224 {
          "tpu.trace_start"() <{level = 10 : i32, message = "ep_wait_in"}> : () -> ()
          %add3A_364 = arith.constant 896 : i32
          %add3A_365 = arith.addi %add3A_153, %add3A_364 : i32
          %mul3A_366 = arith.constant 128 : i32
          %mul3A_367 = arith.muli %mul3A_366, %add3A_365 : i32
          %rem3A_368 = arith.constant 2 : i32
          %rem3A_369 = arith.remui %scan3A_142, %rem3A_368 : i32
          %dma_wait3A_370 = arith.constant 0 : i32
          %dma_wait3A_371 = arith.constant 0 : i32
          %dma_wait3A_372 = tpu.memref_slice %run_scoped3A[%rem3A_369, %dma_wait3A_370, %dma_wait3A_371] : memref<2x128x255xf32, #tpu.memory_space<vmem>> -> memref<1x128x255xf32, #tpu.memory_space<vmem>>
          %dma_wait3A_373 = tpu.memref_squeeze %dma_wait3A_372 : memref<1x128x255xf32, #tpu.memory_space<vmem>> -> memref<128x255xf32, #tpu.memory_space<vmem>>
          %dma_wait3A_374 = arith.constant 0 : i32
          %dma_wait3A_375 = tpu.memref_slice %arg2[%mul3A_367, %dma_wait3A_374] : memref<131072x255xf32, #tpu.memory_space<hbm>> -> memref<128x255xf32, #tpu.memory_space<hbm>>
          %dma_wait3A_376 = tpu.memref_slice %run_scoped3A_7[%rem3A_369] : memref<2x!tpu.dma_semaphore, #tpu.memory_space<semaphore_mem>> -> memref<1x!tpu.dma_semaphore, #tpu.memory_space<semaphore_mem>>
          %dma_wait3A_377 = tpu.memref_squeeze %dma_wait3A_376 : memref<1x!tpu.dma_semaphore, #tpu.memory_space<semaphore_mem>> -> memref<!tpu.dma_semaphore, #tpu.memory_space<semaphore_mem>>
          %dma_wait3A_378 = arith.constant 0 : i32
          %dma_wait3A_379 = arith.constant 0 : i32
          %dma_wait3A_380 = tpu.memref_slice %run_scoped3A[%rem3A_369, %dma_wait3A_378, %dma_wait3A_379] : memref<2x128x255xf32, #tpu.memory_space<vmem>> -> memref<1x128x255xf32, #tpu.memory_space<vmem>>
          %dma_wait3A_381 = tpu.memref_squeeze %dma_wait3A_380 : memref<1x128x255xf32, #tpu.memory_space<vmem>> -> memref<128x255xf32, #tpu.memory_space<vmem>>
          %dma_wait3A_382 = arith.constant 0 : i32
          %dma_wait3A_383 = tpu.memref_slice %arg2[%mul3A_367, %dma_wait3A_382] : memref<131072x255xf32, #tpu.memory_space<hbm>> -> memref<128x255xf32, #tpu.memory_space<hbm>>
          tpu.wait_dma2 semaphore(%dma_wait3A_377 : memref<!tpu.dma_semaphore, #tpu.memory_space<semaphore_mem>>) src(%dma_wait3A_383 : memref<128x255xf32, #tpu.memory_space<hbm>>) dst(%dma_wait3A_381 : memref<128x255xf32, #tpu.memory_space<vmem>>)
          "tpu.trace_stop"() : () -> ()
        } else {
        }
        %ne3A_225 = arith.cmpi ne, %add3A_153, %add3A_162 : i32
        %or3A_226 = arith.constant false
        %or3A_227 = arith.ori %or3A_226, %ne3A_225 : i1
        %or3A_228 = arith.ori %or3A_227, %eq3A_150 : i1
        %convert_element_type3A_229 = arith.extui %or3A_228 : i1 to i32
        %cond3A_230 = arith.constant 0 : i32
        %cond3A_231 = arith.cmpi ne, %convert_element_type3A_229, %cond3A_230 : i32
        scf.if %cond3A_231 {
        } else {
        }
        %ne3A_232 = arith.cmpi ne, %add3A_153, %add3A_162 : i32
        %or3A_233 = arith.constant false
        %or3A_234 = arith.ori %or3A_233, %ne3A_232 : i1
        %or3A_235 = arith.ori %or3A_234, %eq3A_150 : i1
        %convert_element_type3A_236 = arith.extui %or3A_235 : i1 to i32
        %cond3A_237 = arith.constant 0 : i32
        %cond3A_238 = arith.cmpi ne, %convert_element_type3A_236, %cond3A_237 : i32
        scf.if %cond3A_238 {
        } else {
        }
        %rem3A_239 = arith.constant 2 : i32
        %rem3A_240 = arith.remui %scan3A_142, %rem3A_239 : i32
        %rem3A_241 = arith.constant 2 : i32
        %rem3A_242 = arith.remui %scan3A_144, %rem3A_241 : i32
        %mul3A_243 = arith.constant 2048 : i32
        %mul3A_244 = arith.muli %rem3A_242, %mul3A_243 : i32
        %rem3A_245 = arith.constant 2 : i32
        %rem3A_246 = arith.remui %scan3A_146, %rem3A_245 : i32
        %mul3A_247 = arith.constant 2048 : i32
        %mul3A_248 = arith.muli %rem3A_246, %mul3A_247 : i32
        "tpu.trace_start"() <{level = 10 : i32, message = "ep_run_kernel"}> : () -> ()
        %scan3A_249 = arith.constant 0 : i32
        %scan3A_250 = arith.constant 128 : i32
        %scan3A_251 = arith.addi %scan3A_249, %scan3A_250 : i32
        %scan3A_252 = arith.constant 1 : i32
        scf.for %scan3A_364 = %scan3A_249 to %scan3A_251 step %scan3A_252  : i32 {
          %mul3A_365 = arith.constant 1 : i32
          %mul3A_366 = arith.muli %scan3A_364, %mul3A_365 : i32
          %add3A_367 = arith.constant 0 : i32
          %add3A_368 = arith.addi %add3A_367, %mul3A_366 : i32
          %broadcast_in_dim3A = arith.constant 0.000000e+00 : f32
          %broadcast_in_dim3A_369 = vector.broadcast %broadcast_in_dim3A : f32 to vector<16xf32>
          %scan3A_370 = arith.constant 0 : i32
          %scan3A_371 = arith.constant 15 : i32
          %scan3A_372 = arith.addi %scan3A_370, %scan3A_371 : i32
          %scan3A_373 = arith.constant 5 : i32
          %scan3A_374:2 = scf.for %scan3A_406 = %scan3A_370 to %scan3A_372 step %scan3A_373 iter_args(%scan3A_407 = %broadcast_in_dim3A_369, %scan3A_408 = %broadcast_in_dim3A_369) -> (vector<16xf32>, vector<16xf32>)  : i32 {
            %mul3A_409 = arith.constant 16 : i32
            %mul3A_410 = arith.muli %scan3A_406, %mul3A_409 : i32
            %get3A_411 = arith.constant 0 : i32
            %get3A_412 = arith.constant 0 : i32
            %get3A_413 = tpu.memref_slice %run_scoped3A[%rem3A_240, %get3A_411, %get3A_412] : memref<2x128x255xf32, #tpu.memory_space<vmem>> -> memref<1x128x255xf32, #tpu.memory_space<vmem>>
            %get3A_414 = tpu.memref_squeeze %get3A_413 : memref<1x128x255xf32, #tpu.memory_space<vmem>> -> memref<128x255xf32, #tpu.memory_space<vmem>>
            %get3A_415 = arith.index_cast %add3A_368 : i32 to index
            %get3A_416 = arith.index_cast %mul3A_410 : i32 to index
            %get3A_417 = tpu.vector_load %get3A_414[%get3A_415, %get3A_416] {strides = array<i32>} : memref<128x255xf32, #tpu.memory_space<vmem>>, vector<1x16xf32>,
            %get3A_418 = vector.shape_cast %get3A_417 : vector<1x16xf32> to vector<16xf32>
            %mul3A_419 = arith.constant 16 : i32
            %mul3A_420 = arith.muli %scan3A_406, %mul3A_419 : i32
            %get3A_421 = arith.index_cast %mul3A_420 : i32 to index
            %get3A_422 = tpu.vector_load %run_scoped3A_8[%get3A_421] {strides = array<i32>} : memref<288xf32, #tpu.memory_space<vmem>>, vector<16xf32>,
            %get3A_423 = vector.shape_cast %get3A_422 : vector<16xf32> to vector<16xf32>
            %exp3A_424 = math.exp %get3A_418 : vector<16xf32>
            %add3A_425 = arith.addf %scan3A_407, %exp3A_424 : vector<16xf32>
            %mul3A_426 = arith.mulf %exp3A_424, %get3A_423 : vector<16xf32>
            %add3A_427 = arith.addf %scan3A_408, %mul3A_426 : vector<16xf32>
            %scan3A_428 = arith.constant 1 : i32
            %scan3A_429 = arith.addi %scan3A_406, %scan3A_428 : i32
            %mul3A_430 = arith.constant 16 : i32
            %mul3A_431 = arith.muli %scan3A_429, %mul3A_430 : i32
            %get3A_432 = arith.constant 0 : i32
            %get3A_433 = arith.constant 0 : i32
            %get3A_434 = tpu.memref_slice %run_scoped3A[%rem3A_240, %get3A_432, %get3A_433] : memref<2x128x255xf32, #tpu.memory_space<vmem>> -> memref<1x128x255xf32, #tpu.memory_space<vmem>>
            %get3A_435 = tpu.memref_squeeze %get3A_434 : memref<1x128x255xf32, #tpu.memory_space<vmem>> -> memref<128x255xf32, #tpu.memory_space<vmem>>
            %get3A_436 = arith.index_cast %add3A_368 : i32 to index
            %get3A_437 = arith.index_cast %mul3A_431 : i32 to index
            %get3A_438 = tpu.vector_load %get3A_435[%get3A_436, %get3A_437] {strides = array<i32>} : memref<128x255xf32, #tpu.memory_space<vmem>>, vector<1x16xf32>,
            %get3A_439 = vector.shape_cast %get3A_438 : vector<1x16xf32> to vector<16xf32>
            %mul3A_440 = arith.constant 16 : i32
            %mul3A_441 = arith.muli %scan3A_429, %mul3A_440 : i32
            %get3A_442 = arith.index_cast %mul3A_441 : i32 to index
            %get3A_443 = tpu.vector_load %run_scoped3A_8[%get3A_442] {strides = array<i32>} : memref<288xf32, #tpu.memory_space<vmem>>, vector<16xf32>,
            %get3A_444 = vector.shape_cast %get3A_443 : vector<16xf32> to vector<16xf32>
            %exp3A_445 = math.exp %get3A_439 : vector<16xf32>
            %add3A_446 = arith.addf %add3A_425, %exp3A_445 : vector<16xf32>
            %mul3A_447 = arith.mulf %exp3A_445, %get3A_444 : vector<16xf32>
            %add3A_448 = arith.addf %add3A_427, %mul3A_447 : vector<16xf32>
            %scan3A_449 = arith.constant 2 : i32
            %scan3A_450 = arith.addi %scan3A_406, %scan3A_449 : i32
            %mul3A_451 = arith.constant 16 : i32
            %mul3A_452 = arith.muli %scan3A_450, %mul3A_451 : i32
            %get3A_453 = arith.constant 0 : i32
            %get3A_454 = arith.constant 0 : i32
            %get3A_455 = tpu.memref_slice %run_scoped3A[%rem3A_240, %get3A_453, %get3A_454] : memref<2x128x255xf32, #tpu.memory_space<vmem>> -> memref<1x128x255xf32, #tpu.memory_space<vmem>>
            %get3A_456 = tpu.memref_squeeze %get3A_455 : memref<1x128x255xf32, #tpu.memory_space<vmem>> -> memref<128x255xf32, #tpu.memory_space<vmem>>
            %get3A_457 = arith.index_cast %add3A_368 : i32 to index
            %get3A_458 = arith.index_cast %mul3A_452 : i32 to index
            %get3A_459 = tpu.vector_load %get3A_456[%get3A_457, %get3A_458] {strides = array<i32>} : memref<128x255xf32, #tpu.memory_space<vmem>>, vector<1x16xf32>,
            %get3A_460 = vector.shape_cast %get3A_459 : vector<1x16xf32> to vector<16xf32>
            %mul3A_461 = arith.constant 16 : i32
            %mul3A_462 = arith.muli %scan3A_450, %mul3A_461 : i32
            %get3A_463 = arith.index_cast %mul3A_462 : i32 to index
            %get3A_464 = tpu.vector_load %run_scoped3A_8[%get3A_463] {strides = array<i32>} : memref<288xf32, #tpu.memory_space<vmem>>, vector<16xf32>,
            %get3A_465 = vector.shape_cast %get3A_464 : vector<16xf32> to vector<16xf32>
            %exp3A_466 = math.exp %get3A_460 : vector<16xf32>
            %add3A_467 = arith.addf %add3A_446, %exp3A_466 : vector<16xf32>
            %mul3A_468 = arith.mulf %exp3A_466, %get3A_465 : vector<16xf32>
            %add3A_469 = arith.addf %add3A_448, %mul3A_468 : vector<16xf32>
            %scan3A_470 = arith.constant 3 : i32
            %scan3A_471 = arith.addi %scan3A_406, %scan3A_470 : i32
            %mul3A_472 = arith.constant 16 : i32
            %mul3A_473 = arith.muli %scan3A_471, %mul3A_472 : i32
            %get3A_474 = arith.constant 0 : i32
            %get3A_475 = arith.constant 0 : i32
            %get3A_476 = tpu.memref_slice %run_scoped3A[%rem3A_240, %get3A_474, %get3A_475] : memref<2x128x255xf32, #tpu.memory_space<vmem>> -> memref<1x128x255xf32, #tpu.memory_space<vmem>>
            %get3A_477 = tpu.memref_squeeze %get3A_476 : memref<1x128x255xf32, #tpu.memory_space<vmem>> -> memref<128x255xf32, #tpu.memory_space<vmem>>
            %get3A_478 = arith.index_cast %add3A_368 : i32 to index
            %get3A_479 = arith.index_cast %mul3A_473 : i32 to index
            %get3A_480 = tpu.vector_load %get3A_477[%get3A_478, %get3A_479] {strides = array<i32>} : memref<128x255xf32, #tpu.memory_space<vmem>>, vector<1x16xf32>,
            %get3A_481 = vector.shape_cast %get3A_480 : vector<1x16xf32> to vector<16xf32>
            %mul3A_482 = arith.constant 16 : i32
            %mul3A_483 = arith.muli %scan3A_471, %mul3A_482 : i32
            %get3A_484 = arith.index_cast %mul3A_483 : i32 to index
            %get3A_485 = tpu.vector_load %run_scoped3A_8[%get3A_484] {strides = array<i32>} : memref<288xf32, #tpu.memory_space<vmem>>, vector<16xf32>,
            %get3A_486 = vector.shape_cast %get3A_485 : vector<16xf32> to vector<16xf32>
            %exp3A_487 = math.exp %get3A_481 : vector<16xf32>
            %add3A_488 = arith.addf %add3A_467, %exp3A_487 : vector<16xf32>
            %mul3A_489 = arith.mulf %exp3A_487, %get3A_486 : vector<16xf32>
            %add3A_490 = arith.addf %add3A_469, %mul3A_489 : vector<16xf32>
            %scan3A_491 = arith.constant 4 : i32
            %scan3A_492 = arith.addi %scan3A_406, %scan3A_491 : i32
            %mul3A_493 = arith.constant 16 : i32
            %mul3A_494 = arith.muli %scan3A_492, %mul3A_493 : i32
            %get3A_495 = arith.constant 0 : i32
            %get3A_496 = arith.constant 0 : i32
            %get3A_497 = tpu.memref_slice %run_scoped3A[%rem3A_240, %get3A_495, %get3A_496] : memref<2x128x255xf32, #tpu.memory_space<vmem>> -> memref<1x128x255xf32, #tpu.memory_space<vmem>>
            %get3A_498 = tpu.memref_squeeze %get3A_497 : memref<1x128x255xf32, #tpu.memory_space<vmem>> -> memref<128x255xf32, #tpu.memory_space<vmem>>
            %get3A_499 = arith.index_cast %add3A_368 : i32 to index
            %get3A_500 = arith.index_cast %mul3A_494 : i32 to index
            %get3A_501 = tpu.vector_load %get3A_498[%get3A_499, %get3A_500] {strides = array<i32>} : memref<128x255xf32, #tpu.memory_space<vmem>>, vector<1x16xf32>,
            %get3A_502 = vector.shape_cast %get3A_501 : vector<1x16xf32> to vector<16xf32>
            %mul3A_503 = arith.constant 16 : i32
            %mul3A_504 = arith.muli %scan3A_492, %mul3A_503 : i32
            %get3A_505 = arith.index_cast %mul3A_504 : i32 to index
            %get3A_506 = tpu.vector_load %run_scoped3A_8[%get3A_505] {strides = array<i32>} : memref<288xf32, #tpu.memory_space<vmem>>, vector<16xf32>,
            %get3A_507 = vector.shape_cast %get3A_506 : vector<16xf32> to vector<16xf32>
            %exp3A_508 = math.exp %get3A_502 : vector<16xf32>
            %add3A_509 = arith.addf %add3A_488, %exp3A_508 : vector<16xf32>
            %mul3A_510 = arith.mulf %exp3A_508, %get3A_507 : vector<16xf32>
            %add3A_511 = arith.addf %add3A_490, %mul3A_510 : vector<16xf32>
            scf.yield %add3A_509, %add3A_511 : vector<16xf32>, vector<16xf32>
          }
          %scan3A_375 = arith.constant 15 : i32
          %get3A = arith.constant 0 : i32
          %get3A_376 = arith.constant 0 : i32
          %get3A_377 = tpu.memref_slice %run_scoped3A[%rem3A_240, %get3A, %get3A_376] : memref<2x128x255xf32, #tpu.memory_space<vmem>> -> memref<1x128x255xf32, #tpu.memory_space<vmem>>
          %get3A_378 = tpu.memref_squeeze %get3A_377 : memref<1x128x255xf32, #tpu.memory_space<vmem>> -> memref<128x255xf32, #tpu.memory_space<vmem>>
          %get3A_379 = arith.index_cast %add3A_368 : i32 to index
          %get3A_380 = arith.constant 239 : index
          %get3A_381 = tpu.vector_load %get3A_378[%get3A_379, %get3A_380] {strides = array<i32>} : memref<128x255xf32, #tpu.memory_space<vmem>>, vector<1x16xf32>,
          %get3A_382 = vector.shape_cast %get3A_381 : vector<1x16xf32> to vector<16xf32>
          %get3A_383 = arith.constant 256 : index
          %get3A_384 = tpu.vector_load %run_scoped3A_8[%get3A_383] {strides = array<i32>} : memref<288xf32, #tpu.memory_space<vmem>>, vector<16xf32>,
          %get3A_385 = vector.shape_cast %get3A_384 : vector<16xf32> to vector<16xf32>
          %get3A_386 = arith.constant 272 : index
          %get3A_387 = tpu.vector_load %run_scoped3A_8[%get3A_386] {strides = array<i32>} : memref<288xf32, #tpu.memory_space<vmem>>, vector<16xf32>,
          %get3A_388 = vector.shape_cast %get3A_387 : vector<16xf32> to vector<16xf32>
          %exp3A = math.exp %get3A_382 : vector<16xf32>
          %mul3A_389 = arith.mulf %exp3A, %get3A_385 : vector<16xf32>
          %add3A_390 = arith.addf %scan3A_374#0, %mul3A_389 : vector<16xf32>
          %mul3A_391 = arith.mulf %exp3A, %get3A_388 : vector<16xf32>
          %add3A_392 = arith.addf %scan3A_374#1, %mul3A_391 : vector<16xf32>
          %mul3A_393 = arith.constant 16 : i32
          %mul3A_394 = arith.muli %add3A_368, %mul3A_393 : i32
          %swap3A = tpu.memref_slice %run_scoped3A_9[%mul3A_244] : memref<4096xf32, #tpu.memory_space<vmem>> -> memref<2048xf32, #tpu.memory_space<vmem>>
          %swap3A_395 = arith.index_cast %mul3A_394 : i32 to index
          %swap3A_396 = tpu.vector_load %swap3A[%swap3A_395] {strides = array<i32>} : memref<2048xf32, #tpu.memory_space<vmem>>, vector<16xf32>,
          %swap3A_397 = vector.shape_cast %swap3A_396 : vector<16xf32> to vector<16xf32>
          %swap3A_398 = vector.shape_cast %add3A_390 : vector<16xf32> to vector<16xf32>
          tpu.vector_store %swap3A[%swap3A_395], %swap3A_398 {strides = array<i32>} : memref<2048xf32, #tpu.memory_space<vmem>>, vector<16xf32>,
          %mul3A_399 = arith.constant 16 : i32
          %mul3A_400 = arith.muli %add3A_368, %mul3A_399 : i32
          %swap3A_401 = tpu.memref_slice %run_scoped3A_11[%mul3A_248] : memref<4096xf32, #tpu.memory_space<vmem>> -> memref<2048xf32, #tpu.memory_space<vmem>>
          %swap3A_402 = arith.index_cast %mul3A_400 : i32 to index
          %swap3A_403 = tpu.vector_load %swap3A_401[%swap3A_402] {strides = array<i32>} : memref<2048xf32, #tpu.memory_space<vmem>>, vector<16xf32>,
          %swap3A_404 = vector.shape_cast %swap3A_403 : vector<16xf32> to vector<16xf32>
          %swap3A_405 = vector.shape_cast %add3A_392 : vector<16xf32> to vector<16xf32>
          tpu.vector_store %swap3A_401[%swap3A_402], %swap3A_405 {strides = array<i32>} : memref<2048xf32, #tpu.memory_space<vmem>>, vector<16xf32>,
        }
        %scan3A_253 = arith.constant 128 : i32
        "tpu.trace_stop"() : () -> ()
        %add3A_254 = arith.constant 896 : i32
        %add3A_255 = arith.addi %add3A_153, %add3A_254 : i32
        %add3A_256 = arith.constant 896 : i32
        %add3A_257 = arith.addi %add3A_171, %add3A_256 : i32
        %ne3A_258 = arith.cmpi ne, %add3A_255, %add3A_257 : i32
        %or3A_259 = arith.constant false
        %or3A_260 = arith.ori %or3A_259, %ne3A_258 : i1
        %or3A_261 = arith.constant false
        %or3A_262 = arith.ori %or3A_260, %or3A_261 : i1
        %or3A_263 = arith.ori %or3A_262, %eq3A_152 : i1
        %convert_element_type3A_264 = arith.extui %or3A_263 : i1 to i32
        %cond3A_265 = arith.constant 0 : i32
        %cond3A_266 = arith.cmpi ne, %convert_element_type3A_264, %cond3A_265 : i32
        scf.if %cond3A_266 {
        } else {
        }
        %and3A_267 = arith.constant false
        %and3A_268 = arith.andi %or3A_263, %and3A_267 : i1
        %ne3A_269 = arith.cmpi ne, %add3A_153, %add3A_171 : i32
        %or3A_270 = arith.constant false
        %or3A_271 = arith.ori %or3A_270, %ne3A_269 : i1
        %or3A_272 = arith.ori %or3A_271, %eq3A_152 : i1
        %convert_element_type3A_273 = arith.extui %or3A_272 : i1 to i32
        %cond3A_274 = arith.constant 0 : i32
        %cond3A_275 = arith.cmpi ne, %convert_element_type3A_273, %cond3A_274 : i32
        scf.if %cond3A_275 {
          "tpu.trace_start"() <{level = 10 : i32, message = "ep_copy_out"}> : () -> ()
          %rem3A_364 = arith.constant 2 : i32
          %rem3A_365 = arith.remui %scan3A_144, %rem3A_364 : i32
          %mul3A_366 = arith.constant 2048 : i32
          %mul3A_367 = arith.muli %mul3A_366, %add3A_153 : i32
          %mul3A_368 = arith.constant 2048 : i32
          %mul3A_369 = arith.muli %rem3A_365, %mul3A_368 : i32
          %add3A_370 = arith.constant 0 : i32
          %add3A_371 = arith.addi %mul3A_369, %add3A_370 : i32
          %dma_start3A_372 = tpu.memref_slice %run_scoped3A_9[%add3A_371] : memref<4096xf32, #tpu.memory_space<vmem>> -> memref<2048xf32, #tpu.memory_space<vmem>>
          %dma_start3A_373 = tpu.memref_slice %arg4[%mul3A_367] : memref<262144xf32, #tpu.memory_space<hbm>> -> memref<2048xf32, #tpu.memory_space<hbm>>
          %dma_start3A_374 = tpu.memref_slice %run_scoped3A_10[%rem3A_365] : memref<2x!tpu.dma_semaphore, #tpu.memory_space<semaphore_mem>> -> memref<1x!tpu.dma_semaphore, #tpu.memory_space<semaphore_mem>>
          %dma_start3A_375 = tpu.memref_squeeze %dma_start3A_374 : memref<1x!tpu.dma_semaphore, #tpu.memory_space<semaphore_mem>> -> memref<!tpu.dma_semaphore, #tpu.memory_space<semaphore_mem>>
          %dma_start3A_376 = tpu.memref_slice %arg4[%mul3A_367] : memref<262144xf32, #tpu.memory_space<hbm>> -> memref<2048xf32, #tpu.memory_space<hbm>>
          %dma_start3A_377 = tpu.memref_slice %run_scoped3A_9[%add3A_371] : memref<4096xf32, #tpu.memory_space<vmem>> -> memref<2048xf32, #tpu.memory_space<vmem>>
          tpu.enqueue_dma source(%dma_start3A_377 : memref<2048xf32, #tpu.memory_space<vmem>>) target(%dma_start3A_376 : memref<2048xf32, #tpu.memory_space<hbm>>) target_semaphore(%dma_start3A_375 : memref<!tpu.dma_semaphore, #tpu.memory_space<semaphore_mem>>)
          "tpu.trace_stop"() : () -> ()
        } else {
        }
        %and3A_276 = arith.constant true
        %and3A_277 = arith.andi %or3A_272, %and3A_276 : i1
        %add3A_278 = arith.constant 1 : i32
        %add3A_279 = arith.addi %scan3A_144, %add3A_278 : i32
        %select_n3A_280 = arith.select %and3A_277, %add3A_279, %scan3A_144 : i32
        %ne3A_281 = arith.cmpi ne, %add3A_153, %add3A_171 : i32
        %or3A_282 = arith.constant false
        %or3A_283 = arith.ori %or3A_282, %ne3A_281 : i1
        %or3A_284 = arith.ori %or3A_283, %eq3A_152 : i1
        %convert_element_type3A_285 = arith.extui %or3A_284 : i1 to i32
        %cond3A_286 = arith.constant 0 : i32
        %cond3A_287 = arith.cmpi ne, %convert_element_type3A_285, %cond3A_286 : i32
        scf.if %cond3A_287 {
          "tpu.trace_start"() <{level = 10 : i32, message = "ep_copy_out"}> : () -> ()
          %rem3A_364 = arith.constant 2 : i32
          %rem3A_365 = arith.remui %scan3A_146, %rem3A_364 : i32
          %mul3A_366 = arith.constant 2048 : i32
          %mul3A_367 = arith.muli %mul3A_366, %add3A_153 : i32
          %mul3A_368 = arith.constant 2048 : i32
          %mul3A_369 = arith.muli %rem3A_365, %mul3A_368 : i32
          %add3A_370 = arith.constant 0 : i32
          %add3A_371 = arith.addi %mul3A_369, %add3A_370 : i32
          %dma_start3A_372 = tpu.memref_slice %run_scoped3A_11[%add3A_371] : memref<4096xf32, #tpu.memory_space<vmem>> -> memref<2048xf32, #tpu.memory_space<vmem>>
          %dma_start3A_373 = tpu.memref_slice %arg5[%mul3A_367] : memref<262144xf32, #tpu.memory_space<hbm>> -> memref<2048xf32, #tpu.memory_space<hbm>>
          %dma_start3A_374 = tpu.memref_slice %run_scoped3A_12[%rem3A_365] : memref<2x!tpu.dma_semaphore, #tpu.memory_space<semaphore_mem>> -> memref<1x!tpu.dma_semaphore, #tpu.memory_space<semaphore_mem>>
          %dma_start3A_375 = tpu.memref_squeeze %dma_start3A_374 : memref<1x!tpu.dma_semaphore, #tpu.memory_space<semaphore_mem>> -> memref<!tpu.dma_semaphore, #tpu.memory_space<semaphore_mem>>
          %dma_start3A_376 = tpu.memref_slice %arg5[%mul3A_367] : memref<262144xf32, #tpu.memory_space<hbm>> -> memref<2048xf32, #tpu.memory_space<hbm>>
          %dma_start3A_377 = tpu.memref_slice %run_scoped3A_11[%add3A_371] : memref<4096xf32, #tpu.memory_space<vmem>> -> memref<2048xf32, #tpu.memory_space<vmem>>
          tpu.enqueue_dma source(%dma_start3A_377 : memref<2048xf32, #tpu.memory_space<vmem>>) target(%dma_start3A_376 : memref<2048xf32, #tpu.memory_space<hbm>>) target_semaphore(%dma_start3A_375 : memref<!tpu.dma_semaphore, #tpu.memory_space<semaphore_mem>>)
          "tpu.trace_stop"() : () -> ()
        } else {
        }
        %and3A_288 = arith.constant true
        %and3A_289 = arith.andi %or3A_284, %and3A_288 : i1
        %add3A_290 = arith.constant 1 : i32
        %add3A_291 = arith.addi %scan3A_146, %add3A_290 : i32
        %select_n3A_292 = arith.select %and3A_289, %add3A_291, %scan3A_146 : i32
        %add3A_293 = arith.constant 896 : i32
        %add3A_294 = arith.addi %add3A_153, %add3A_293 : i32
        %add3A_295 = arith.constant 896 : i32
        %add3A_296 = arith.addi %add3A_162, %add3A_295 : i32
        %ne3A_297 = arith.cmpi ne, %add3A_294, %add3A_296 : i32
        %or3A_298 = arith.constant false
        %or3A_299 = arith.ori %or3A_298, %ne3A_297 : i1
        %or3A_300 = arith.constant false
        %or3A_301 = arith.ori %or3A_299, %or3A_300 : i1
        %not3A_302 = arith.constant true
        %not3A_303 = arith.xori %eq3A_150, %not3A_302 : i1
        %and3A_304 = arith.andi %or3A_301, %not3A_303 : i1
        %convert_element_type3A_305 = arith.extui %and3A_304 : i1 to i32
        %cond3A_306 = arith.constant 0 : i32
        %cond3A_307 = arith.cmpi ne, %convert_element_type3A_305, %cond3A_306 : i32
        scf.if %cond3A_307 {
        } else {
        }
        %and3A_308 = arith.constant false
        %and3A_309 = arith.andi %and3A_304, %and3A_308 : i1
        %ne3A_310 = arith.cmpi ne, %add3A_153, %add3A_162 : i32
        %or3A_311 = arith.constant false
        %or3A_312 = arith.ori %or3A_311, %ne3A_310 : i1
        %not3A_313 = arith.constant true
        %not3A_314 = arith.xori %eq3A_150, %not3A_313 : i1
        %and3A_315 = arith.andi %or3A_312, %not3A_314 : i1
        %convert_element_type3A_316 = arith.extui %and3A_315 : i1 to i32
        %cond3A_317 = arith.constant 0 : i32
        %cond3A_318 = arith.cmpi ne, %convert_element_type3A_316, %cond3A_317 : i32
        scf.if %cond3A_318 {
          "tpu.trace_start"() <{level = 10 : i32, message = "ep_wait_out"}> : () -> ()
          %rem3A_364 = arith.constant 2 : i32
          %rem3A_365 = arith.remui %scan3A_145, %rem3A_364 : i32
          %mul3A_366 = arith.constant 2048 : i32
          %mul3A_367 = arith.muli %mul3A_366, %add3A_162 : i32
          %mul3A_368 = arith.constant 2048 : i32
          %mul3A_369 = arith.muli %rem3A_365, %mul3A_368 : i32
          %add3A_370 = arith.constant 0 : i32
          %add3A_371 = arith.addi %mul3A_369, %add3A_370 : i32
          %dma_wait3A_372 = tpu.memref_slice %run_scoped3A_9[%add3A_371] : memref<4096xf32, #tpu.memory_space<vmem>> -> memref<2048xf32, #tpu.memory_space<vmem>>
          %dma_wait3A_373 = tpu.memref_slice %arg4[%mul3A_367] : memref<262144xf32, #tpu.memory_space<hbm>> -> memref<2048xf32, #tpu.memory_space<hbm>>
          %dma_wait3A_374 = tpu.memref_slice %run_scoped3A_10[%rem3A_365] : memref<2x!tpu.dma_semaphore, #tpu.memory_space<semaphore_mem>> -> memref<1x!tpu.dma_semaphore, #tpu.memory_space<semaphore_mem>>
          %dma_wait3A_375 = tpu.memref_squeeze %dma_wait3A_374 : memref<1x!tpu.dma_semaphore, #tpu.memory_space<semaphore_mem>> -> memref<!tpu.dma_semaphore, #tpu.memory_space<semaphore_mem>>
          %dma_wait3A_376 = tpu.memref_slice %arg4[%mul3A_367] : memref<262144xf32, #tpu.memory_space<hbm>> -> memref<2048xf32, #tpu.memory_space<hbm>>
          %dma_wait3A_377 = tpu.memref_slice %run_scoped3A_9[%add3A_371] : memref<4096xf32, #tpu.memory_space<vmem>> -> memref<2048xf32, #tpu.memory_space<vmem>>
          tpu.wait_dma2 semaphore(%dma_wait3A_375 : memref<!tpu.dma_semaphore, #tpu.memory_space<semaphore_mem>>) src(%dma_wait3A_377 : memref<2048xf32, #tpu.memory_space<vmem>>) dst(%dma_wait3A_376 : memref<2048xf32, #tpu.memory_space<hbm>>)
          "tpu.trace_stop"() : () -> ()
        } else {
        }
        %and3A_319 = arith.constant true
        %and3A_320 = arith.andi %and3A_315, %and3A_319 : i1
        %add3A_321 = arith.constant 1 : i32
        %add3A_322 = arith.addi %scan3A_145, %add3A_321 : i32
        %select_n3A_323 = arith.select %and3A_320, %add3A_322, %scan3A_145 : i32
        %ne3A_324 = arith.cmpi ne, %add3A_153, %add3A_162 : i32
        %or3A_325 = arith.constant false
        %or3A_326 = arith.ori %or3A_325, %ne3A_324 : i1
        %not3A_327 = arith.constant true
        %not3A_328 = arith.xori %eq3A_150, %not3A_327 : i1
        %and3A_329 = arith.andi %or3A_326, %not3A_328 : i1
        %convert_element_type3A_330 = arith.extui %and3A_329 : i1 to i32
        %cond3A_331 = arith.constant 0 : i32
        %cond3A_332 = arith.cmpi ne, %convert_element_type3A_330, %cond3A_331 : i32
        scf.if %cond3A_332 {
          "tpu.trace_start"() <{level = 10 : i32, message = "ep_wait_out"}> : () -> ()
          %rem3A_364 = arith.constant 2 : i32
          %rem3A_365 = arith.remui %scan3A_147, %rem3A_364 : i32
          %mul3A_366 = arith.constant 2048 : i32
          %mul3A_367 = arith.muli %mul3A_366, %add3A_162 : i32
          %mul3A_368 = arith.constant 2048 : i32
          %mul3A_369 = arith.muli %rem3A_365, %mul3A_368 : i32
          %add3A_370 = arith.constant 0 : i32
          %add3A_371 = arith.addi %mul3A_369, %add3A_370 : i32
          %dma_wait3A_372 = tpu.memref_slice %run_scoped3A_11[%add3A_371] : memref<4096xf32, #tpu.memory_space<vmem>> -> memref<2048xf32, #tpu.memory_space<vmem>>
          %dma_wait3A_373 = tpu.memref_slice %arg5[%mul3A_367] : memref<262144xf32, #tpu.memory_space<hbm>> -> memref<2048xf32, #tpu.memory_space<hbm>>
          %dma_wait3A_374 = tpu.memref_slice %run_scoped3A_12[%rem3A_365] : memref<2x!tpu.dma_semaphore, #tpu.memory_space<semaphore_mem>> -> memref<1x!tpu.dma_semaphore, #tpu.memory_space<semaphore_mem>>
          %dma_wait3A_375 = tpu.memref_squeeze %dma_wait3A_374 : memref<1x!tpu.dma_semaphore, #tpu.memory_space<semaphore_mem>> -> memref<!tpu.dma_semaphore, #tpu.memory_space<semaphore_mem>>
          %dma_wait3A_376 = tpu.memref_slice %arg5[%mul3A_367] : memref<262144xf32, #tpu.memory_space<hbm>> -> memref<2048xf32, #tpu.memory_space<hbm>>
          %dma_wait3A_377 = tpu.memref_slice %run_scoped3A_11[%add3A_371] : memref<4096xf32, #tpu.memory_space<vmem>> -> memref<2048xf32, #tpu.memory_space<vmem>>
          tpu.wait_dma2 semaphore(%dma_wait3A_375 : memref<!tpu.dma_semaphore, #tpu.memory_space<semaphore_mem>>) src(%dma_wait3A_377 : memref<2048xf32, #tpu.memory_space<vmem>>) dst(%dma_wait3A_376 : memref<2048xf32, #tpu.memory_space<hbm>>)
          "tpu.trace_stop"() : () -> ()
        } else {
        }
        %and3A_333 = arith.constant true
        %and3A_334 = arith.andi %and3A_329, %and3A_333 : i1
        %add3A_335 = arith.constant 1 : i32
        %add3A_336 = arith.addi %scan3A_147, %add3A_335 : i32
        %select_n3A_337 = arith.select %and3A_334, %add3A_336, %scan3A_147 : i32
        %add3A_338 = arith.constant 896 : i32
        %add3A_339 = arith.addi %add3A_153, %add3A_338 : i32
        %add3A_340 = arith.constant 896 : i32
        %add3A_341 = arith.addi %add3A_171, %add3A_340 : i32
        %ne3A_342 = arith.cmpi ne, %add3A_339, %add3A_341 : i32
        %or3A_343 = arith.constant false
        %or3A_344 = arith.ori %or3A_343, %ne3A_342 : i1
        %or3A_345 = arith.constant false
        %or3A_346 = arith.ori %or3A_344, %or3A_345 : i1
        %or3A_347 = arith.ori %or3A_346, %eq3A_152 : i1
        %add3A_348 = arith.constant 1 : i32
        %add3A_349 = arith.addi %scan3A_142, %add3A_348 : i32
        %select_n3A_350 = arith.select %or3A_347, %add3A_349, %scan3A_142 : i32
        %or3A_351 = arith.constant false
        %or3A_352 = arith.ori %or3A_351, %eq3A_152 : i1
        %add3A_353 = arith.constant 1 : i32
        %add3A_354 = arith.addi %scan3A_143, %add3A_353 : i32
        %select_n3A_355 = arith.select %or3A_352, %add3A_354, %scan3A_143 : i32
        %add3A_356 = arith.constant 1 : i32
        %add3A_357 = arith.addi %scan3A_148, %add3A_356 : i32
        %select_n3A_358 = arith.constant true
        %select_n3A_359 = arith.select %select_n3A_358, %add3A_357, %scan3A_148 : i32
        %eq3A_360 = arith.constant 4 : i32
        %eq3A_361 = arith.cmpi eq, %select_n3A_359, %eq3A_360 : i32
        %select_n3A_362 = arith.constant 0 : i32
        %select_n3A_363 = arith.select %eq3A_361, %select_n3A_362, %select_n3A_359 : i32
        scf.yield %select_n3A_195, %select_n3A_350, %select_n3A_355, %select_n3A_280, %select_n3A_323, %select_n3A_292, %select_n3A_337, %select_n3A_363 : i32, i32, i32, i32, i32, i32, i32, i32
      }
      %scan3A_77 = arith.constant 4 : i32
      %sub3A = arith.constant 1 : i32
      %sub3A_78 = arith.subi %scan3A_76#7, %sub3A : i32
      %select_n3A_79 = arith.constant true
      %select_n3A_80 = arith.select %select_n3A_79, %sub3A_78, %scan3A_76#7 : i32
      %eq3A_81 = arith.constant -1 : i32
      %eq3A_82 = arith.cmpi eq, %select_n3A_80, %eq3A_81 : i32
      %select_n3A_83 = arith.constant 3 : i32
      %select_n3A_84 = arith.select %eq3A_82, %select_n3A_83, %select_n3A_80 : i32
      %add3A_85 = arith.addi %select_n3A_84, %mul3A_6 : i32
      %sub3A_86 = arith.constant 1 : i32
      %sub3A_87 = arith.subi %select_n3A_84, %sub3A_86 : i32
      %select_n3A_88 = arith.constant true
      %select_n3A_89 = arith.select %select_n3A_88, %sub3A_87, %select_n3A_84 : i32
      %eq3A_90 = arith.constant -1 : i32
      %eq3A_91 = arith.cmpi eq, %select_n3A_89, %eq3A_90 : i32
      %select_n3A_92 = arith.constant 3 : i32
      %select_n3A_93 = arith.select %eq3A_91, %select_n3A_92, %select_n3A_89 : i32
      %add3A_94 = arith.addi %select_n3A_93, %mul3A_6 : i32
      %add3A_95 = arith.constant 1 : i32
      %add3A_96 = arith.addi %select_n3A_84, %add3A_95 : i32
      %select_n3A_97 = arith.constant true
      %select_n3A_98 = arith.select %select_n3A_97, %add3A_96, %select_n3A_84 : i32
      %eq3A_99 = arith.constant 4 : i32
      %eq3A_100 = arith.cmpi eq, %select_n3A_98, %eq3A_99 : i32
      %select_n3A_101 = arith.constant 0 : i32
      %select_n3A_102 = arith.select %eq3A_100, %select_n3A_101, %select_n3A_98 : i32
      %add3A_103 = arith.addi %select_n3A_102, %mul3A_6 : i32
      %add3A_104 = arith.constant 1 : i32
      %add3A_105 = arith.addi %select_n3A_102, %add3A_104 : i32
      %select_n3A_106 = arith.constant true
      %select_n3A_107 = arith.select %select_n3A_106, %add3A_105, %select_n3A_102 : i32
      %eq3A_108 = arith.constant 4 : i32
      %eq3A_109 = arith.cmpi eq, %select_n3A_107, %eq3A_108 : i32
      %select_n3A_110 = arith.constant 0 : i32
      %select_n3A_111 = arith.select %eq3A_109, %select_n3A_110, %select_n3A_107 : i32
      %add3A_112 = arith.addi %select_n3A_111, %mul3A_6 : i32
      "tpu.trace_start"() <{level = 10 : i32, message = "ep_finalize"}> : () -> ()
      %rem3A_113 = arith.constant 2 : i32
      %rem3A_114 = arith.remui %scan3A_76#4, %rem3A_113 : i32
      %mul3A_115 = arith.constant 2048 : i32
      %mul3A_116 = arith.muli %mul3A_115, %add3A_85 : i32
      %mul3A_117 = arith.constant 2048 : i32
      %mul3A_118 = arith.muli %rem3A_114, %mul3A_117 : i32
      %add3A_119 = arith.constant 0 : i32
      %add3A_120 = arith.addi %mul3A_118, %add3A_119 : i32
      %dma_wait3A = tpu.memref_slice %run_scoped3A_9[%add3A_120] : memref<4096xf32, #tpu.memory_space<vmem>> -> memref<2048xf32, #tpu.memory_space<vmem>>
      %dma_wait3A_121 = tpu.memref_slice %arg4[%mul3A_116] : memref<262144xf32, #tpu.memory_space<hbm>> -> memref<2048xf32, #tpu.memory_space<hbm>>
      %dma_wait3A_122 = tpu.memref_slice %run_scoped3A_10[%rem3A_114] : memref<2x!tpu.dma_semaphore, #tpu.memory_space<semaphore_mem>> -> memref<1x!tpu.dma_semaphore, #tpu.memory_space<semaphore_mem>>
      %dma_wait3A_123 = tpu.memref_squeeze %dma_wait3A_122 : memref<1x!tpu.dma_semaphore, #tpu.memory_space<semaphore_mem>> -> memref<!tpu.dma_semaphore, #tpu.memory_space<semaphore_mem>>
      %dma_wait3A_124 = tpu.memref_slice %arg4[%mul3A_116] : memref<262144xf32, #tpu.memory_space<hbm>> -> memref<2048xf32, #tpu.memory_space<hbm>>
      %dma_wait3A_125 = tpu.memref_slice %run_scoped3A_9[%add3A_120] : memref<4096xf32, #tpu.memory_space<vmem>> -> memref<2048xf32, #tpu.memory_space<vmem>>
      tpu.wait_dma2 semaphore(%dma_wait3A_123 : memref<!tpu.dma_semaphore, #tpu.memory_space<semaphore_mem>>) src(%dma_wait3A_125 : memref<2048xf32, #tpu.memory_space<vmem>>) dst(%dma_wait3A_124 : memref<2048xf32, #tpu.memory_space<hbm>>)
      %rem3A_126 = arith.constant 2 : i32
      %rem3A_127 = arith.remui %scan3A_76#6, %rem3A_126 : i32
      %mul3A_128 = arith.constant 2048 : i32
      %mul3A_129 = arith.muli %mul3A_128, %add3A_85 : i32
      %mul3A_130 = arith.constant 2048 : i32
      %mul3A_131 = arith.muli %rem3A_127, %mul3A_130 : i32
      %add3A_132 = arith.constant 0 : i32
      %add3A_133 = arith.addi %mul3A_131, %add3A_132 : i32
      %dma_wait3A_134 = tpu.memref_slice %run_scoped3A_11[%add3A_133] : memref<4096xf32, #tpu.memory_space<vmem>> -> memref<2048xf32, #tpu.memory_space<vmem>>
      %dma_wait3A_135 = tpu.memref_slice %arg5[%mul3A_129] : memref<262144xf32, #tpu.memory_space<hbm>> -> memref<2048xf32, #tpu.memory_space<hbm>>
      %dma_wait3A_136 = tpu.memref_slice %run_scoped3A_12[%rem3A_127] : memref<2x!tpu.dma_semaphore, #tpu.memory_space<semaphore_mem>> -> memref<1x!tpu.dma_semaphore, #tpu.memory_space<semaphore_mem>>
      %dma_wait3A_137 = tpu.memref_squeeze %dma_wait3A_136 : memref<1x!tpu.dma_semaphore, #tpu.memory_space<semaphore_mem>> -> memref<!tpu.dma_semaphore, #tpu.memory_space<semaphore_mem>>
      %dma_wait3A_138 = tpu.memref_slice %arg5[%mul3A_129] : memref<262144xf32, #tpu.memory_space<hbm>> -> memref<2048xf32, #tpu.memory_space<hbm>>
      %dma_wait3A_139 = tpu.memref_slice %run_scoped3A_11[%add3A_133] : memref<4096xf32, #tpu.memory_space<vmem>> -> memref<2048xf32, #tpu.memory_space<vmem>>
      tpu.wait_dma2 semaphore(%dma_wait3A_137 : memref<!tpu.dma_semaphore, #tpu.memory_space<semaphore_mem>>) src(%dma_wait3A_139 : memref<2048xf32, #tpu.memory_space<vmem>>) dst(%dma_wait3A_138 : memref<2048xf32, #tpu.memory_space<hbm>>)
      "tpu.trace_stop"() : () -> ()
      tpu.yield
    }) : () -> ()
    return
  }
}

module attributes {stable_mosaic.version = 14 : i64} {
  func.func @_fin_body(%arg0: i32, %arg1: memref<8192x16xf32, #tpu.memory_space<vmem>>, %arg2: memref<8192x16xf32, #tpu.memory_space<vmem>>, %arg3: memref<1x1x8192xf32, #tpu.memory_space<vmem>>) attributes {dimension_semantics = [#tpu.dimension_semantics<parallel>], iteration_bounds = array<i64: 2>, scalar_prefetch = 0 : i64, scratch_operands = 0 : i64, tpu.core_type = #tpu.core_type<tc>, window_params = [{transform_indices = @transform_0, window_bounds = array<i64: 8192, 16>}, {transform_indices = @transform_1, window_bounds = array<i64: 8192, 16>}, {transform_indices = @transform_2, window_bounds = array<i64: 1, 1, 8192>}]} {
    %scan3A = arith.constant 0 : i32
    %scan3A_0 = arith.constant 32 : i32
    %scan3A_1 = arith.addi %scan3A, %scan3A_0 : i32
    %scan3A_2 = arith.constant 8 : i32
    scf.for %scan3A_4 = %scan3A to %scan3A_1 step %scan3A_2  : i32 {
      %mul3A = arith.constant 256 : i32
      %mul3A_5 = arith.muli %scan3A_4, %mul3A : i32
      %get3A = arith.index_cast %mul3A_5 : i32 to index
      %get3A_6 = arith.constant 0 : index
      %get3A_7 = vector.load %arg1[%get3A, %get3A_6] : memref<8192x16xf32, #tpu.memory_space<vmem>>, vector<256x16xf32>
      %mul3A_8 = arith.constant 256 : i32
      %mul3A_9 = arith.muli %scan3A_4, %mul3A_8 : i32
      %get3A_10 = arith.index_cast %mul3A_9 : i32 to index
      %get3A_11 = arith.constant 0 : index
      %get3A_12 = vector.load %arg2[%get3A_10, %get3A_11] : memref<8192x16xf32, #tpu.memory_space<vmem>>, vector<256x16xf32>
      %transpose3A = tpu.transpose %get3A_7, [1, 0] : vector<256x16xf32> -> vector<16x256xf32>
      %transpose3A_13 = tpu.transpose %get3A_12, [1, 0] : vector<256x16xf32> -> vector<16x256xf32>
      %reduce_sum3A = arith.constant dense<0.000000e+00> : vector<256xf32>
      %reduce_sum3A_14 = vector.multi_reduction <add>, %transpose3A, %reduce_sum3A [0] : vector<16x256xf32> to vector<256xf32>
      %broadcast_in_dim3A = vector.shape_cast %reduce_sum3A_14 : vector<256xf32> to vector<1x256xf32>
      %reduce_sum3A_15 = arith.constant dense<0.000000e+00> : vector<256xf32>
      %reduce_sum3A_16 = vector.multi_reduction <add>, %transpose3A_13, %reduce_sum3A_15 [0] : vector<16x256xf32> to vector<256xf32>
      %broadcast_in_dim3A_17 = vector.shape_cast %reduce_sum3A_16 : vector<256xf32> to vector<1x256xf32>
      %div3A = arith.divf %broadcast_in_dim3A_17, %broadcast_in_dim3A : vector<1x256xf32>
      %sign3A = tpu.bitcast %div3A : vector<1x256xf32> -> vector<1x256xi32>
      %sign3A_18 = arith.constant -2147483648 : i32
      %sign3A_19 = vector.broadcast %sign3A_18 : i32 to vector<1x256xi32>
      %sign3A_20 = arith.andi %sign3A, %sign3A_19 : vector<1x256xi32>
      %sign3A_21 = arith.constant 1065353216 : i32
      %sign3A_22 = vector.broadcast %sign3A_21 : i32 to vector<1x256xi32>
      %sign3A_23 = arith.ori %sign3A_22, %sign3A_20 : vector<1x256xi32>
      %sign3A_24 = tpu.bitcast %sign3A_23 : vector<1x256xi32> -> vector<1x256xf32>
      %sign3A_25 = math.absf %div3A : vector<1x256xf32>
      %sign3A_26 = arith.constant 0.000000e+00 : f32
      %sign3A_27 = vector.broadcast %sign3A_26 : f32 to vector<1x256xf32>
      %sign3A_28 = arith.cmpf ogt, %sign3A_25, %sign3A_27 : vector<1x256xf32>
      %sign3A_29 = arith.select %sign3A_28, %sign3A_24, %div3A : vector<1x256xi1>, vector<1x256xf32>
      %abs3A = math.absf %div3A : vector<1x256xf32>
      %mul3A_30 = arith.constant 1.44269502 : f32
      %mul3A_31 = vector.broadcast %mul3A_30 : f32 to vector<1x256xf32>
      %mul3A_32 = arith.mulf %abs3A, %mul3A_31 : vector<1x256xf32>
      %exp23A = math.exp2 %mul3A_32 : vector<1x256xf32>
      %sub3A = arith.constant 1.000000e+00 : f32
      %sub3A_33 = vector.broadcast %sub3A : f32 to vector<1x256xf32>
      %sub3A_34 = arith.subf %exp23A, %sub3A_33 : vector<1x256xf32>
      %mul3A_35 = arith.mulf %sign3A_29, %sub3A_34 : vector<1x256xf32>
      %broadcast_in_dim3A_36 = vector.shape_cast %mul3A_35 : vector<1x256xf32> to vector<1x1x256xf32>
      %mul3A_37 = arith.constant 256 : i32
      %mul3A_38 = arith.muli %scan3A_4, %mul3A_37 : i32
      %swap3A = arith.constant 0 : index
      %swap3A_39 = arith.constant 0 : index
      %swap3A_40 = arith.index_cast %mul3A_38 : i32 to index
      %swap3A_41 = vector.load %arg3[%swap3A, %swap3A_39, %swap3A_40] : memref<1x1x8192xf32, #tpu.memory_space<vmem>>, vector<1x1x256xf32>
      tpu.vector_store %arg3[%swap3A, %swap3A_39, %swap3A_40], %broadcast_in_dim3A_36 {strides = array<i32>} : memref<1x1x8192xf32, #tpu.memory_space<vmem>>, vector<1x1x256xf32>,
      %scan3A_42 = arith.constant 1 : i32
      %scan3A_43 = arith.addi %scan3A_4, %scan3A_42 : i32
      %mul3A_44 = arith.constant 256 : i32
      %mul3A_45 = arith.muli %scan3A_43, %mul3A_44 : i32
      %get3A_46 = arith.index_cast %mul3A_45 : i32 to index
      %get3A_47 = arith.constant 0 : index
      %get3A_48 = vector.load %arg1[%get3A_46, %get3A_47] : memref<8192x16xf32, #tpu.memory_space<vmem>>, vector<256x16xf32>
      %mul3A_49 = arith.constant 256 : i32
      %mul3A_50 = arith.muli %scan3A_43, %mul3A_49 : i32
      %get3A_51 = arith.index_cast %mul3A_50 : i32 to index
      %get3A_52 = arith.constant 0 : index
      %get3A_53 = vector.load %arg2[%get3A_51, %get3A_52] : memref<8192x16xf32, #tpu.memory_space<vmem>>, vector<256x16xf32>
      %transpose3A_54 = tpu.transpose %get3A_48, [1, 0] : vector<256x16xf32> -> vector<16x256xf32>
      %transpose3A_55 = tpu.transpose %get3A_53, [1, 0] : vector<256x16xf32> -> vector<16x256xf32>
      %reduce_sum3A_56 = arith.constant dense<0.000000e+00> : vector<256xf32>
      %reduce_sum3A_57 = vector.multi_reduction <add>, %transpose3A_54, %reduce_sum3A_56 [0] : vector<16x256xf32> to vector<256xf32>
      %broadcast_in_dim3A_58 = vector.shape_cast %reduce_sum3A_57 : vector<256xf32> to vector<1x256xf32>
      %reduce_sum3A_59 = arith.constant dense<0.000000e+00> : vector<256xf32>
      %reduce_sum3A_60 = vector.multi_reduction <add>, %transpose3A_55, %reduce_sum3A_59 [0] : vector<16x256xf32> to vector<256xf32>
      %broadcast_in_dim3A_61 = vector.shape_cast %reduce_sum3A_60 : vector<256xf32> to vector<1x256xf32>
      %div3A_62 = arith.divf %broadcast_in_dim3A_61, %broadcast_in_dim3A_58 : vector<1x256xf32>
      %sign3A_63 = tpu.bitcast %div3A_62 : vector<1x256xf32> -> vector<1x256xi32>
      %sign3A_64 = arith.constant -2147483648 : i32
      %sign3A_65 = vector.broadcast %sign3A_64 : i32 to vector<1x256xi32>
      %sign3A_66 = arith.andi %sign3A_63, %sign3A_65 : vector<1x256xi32>
      %sign3A_67 = arith.constant 1065353216 : i32
      %sign3A_68 = vector.broadcast %sign3A_67 : i32 to vector<1x256xi32>
      %sign3A_69 = arith.ori %sign3A_68, %sign3A_66 : vector<1x256xi32>
      %sign3A_70 = tpu.bitcast %sign3A_69 : vector<1x256xi32> -> vector<1x256xf32>
      %sign3A_71 = math.absf %div3A_62 : vector<1x256xf32>
      %sign3A_72 = arith.constant 0.000000e+00 : f32
      %sign3A_73 = vector.broadcast %sign3A_72 : f32 to vector<1x256xf32>
      %sign3A_74 = arith.cmpf ogt, %sign3A_71, %sign3A_73 : vector<1x256xf32>
      %sign3A_75 = arith.select %sign3A_74, %sign3A_70, %div3A_62 : vector<1x256xi1>, vector<1x256xf32>
      %abs3A_76 = math.absf %div3A_62 : vector<1x256xf32>
      %mul3A_77 = arith.constant 1.44269502 : f32
      %mul3A_78 = vector.broadcast %mul3A_77 : f32 to vector<1x256xf32>
      %mul3A_79 = arith.mulf %abs3A_76, %mul3A_78 : vector<1x256xf32>
      %exp23A_80 = math.exp2 %mul3A_79 : vector<1x256xf32>
      %sub3A_81 = arith.constant 1.000000e+00 : f32
      %sub3A_82 = vector.broadcast %sub3A_81 : f32 to vector<1x256xf32>
      %sub3A_83 = arith.subf %exp23A_80, %sub3A_82 : vector<1x256xf32>
      %mul3A_84 = arith.mulf %sign3A_75, %sub3A_83 : vector<1x256xf32>
      %broadcast_in_dim3A_85 = vector.shape_cast %mul3A_84 : vector<1x256xf32> to vector<1x1x256xf32>
      %mul3A_86 = arith.constant 256 : i32
      %mul3A_87 = arith.muli %scan3A_43, %mul3A_86 : i32
      %swap3A_88 = arith.constant 0 : index
      %swap3A_89 = arith.constant 0 : index
      %swap3A_90 = arith.index_cast %mul3A_87 : i32 to index
      %swap3A_91 = vector.load %arg3[%swap3A_88, %swap3A_89, %swap3A_90] : memref<1x1x8192xf32, #tpu.memory_space<vmem>>, vector<1x1x256xf32>
      tpu.vector_store %arg3[%swap3A_88, %swap3A_89, %swap3A_90], %broadcast_in_dim3A_85 {strides = array<i32>} : memref<1x1x8192xf32, #tpu.memory_space<vmem>>, vector<1x1x256xf32>,
      %scan3A_92 = arith.constant 2 : i32
      %scan3A_93 = arith.addi %scan3A_4, %scan3A_92 : i32
      %mul3A_94 = arith.constant 256 : i32
      %mul3A_95 = arith.muli %scan3A_93, %mul3A_94 : i32
      %get3A_96 = arith.index_cast %mul3A_95 : i32 to index
      %get3A_97 = arith.constant 0 : index
      %get3A_98 = vector.load %arg1[%get3A_96, %get3A_97] : memref<8192x16xf32, #tpu.memory_space<vmem>>, vector<256x16xf32>
      %mul3A_99 = arith.constant 256 : i32
      %mul3A_100 = arith.muli %scan3A_93, %mul3A_99 : i32
      %get3A_101 = arith.index_cast %mul3A_100 : i32 to index
      %get3A_102 = arith.constant 0 : index
      %get3A_103 = vector.load %arg2[%get3A_101, %get3A_102] : memref<8192x16xf32, #tpu.memory_space<vmem>>, vector<256x16xf32>
      %transpose3A_104 = tpu.transpose %get3A_98, [1, 0] : vector<256x16xf32> -> vector<16x256xf32>
      %transpose3A_105 = tpu.transpose %get3A_103, [1, 0] : vector<256x16xf32> -> vector<16x256xf32>
      %reduce_sum3A_106 = arith.constant dense<0.000000e+00> : vector<256xf32>
      %reduce_sum3A_107 = vector.multi_reduction <add>, %transpose3A_104, %reduce_sum3A_106 [0] : vector<16x256xf32> to vector<256xf32>
      %broadcast_in_dim3A_108 = vector.shape_cast %reduce_sum3A_107 : vector<256xf32> to vector<1x256xf32>
      %reduce_sum3A_109 = arith.constant dense<0.000000e+00> : vector<256xf32>
      %reduce_sum3A_110 = vector.multi_reduction <add>, %transpose3A_105, %reduce_sum3A_109 [0] : vector<16x256xf32> to vector<256xf32>
      %broadcast_in_dim3A_111 = vector.shape_cast %reduce_sum3A_110 : vector<256xf32> to vector<1x256xf32>
      %div3A_112 = arith.divf %broadcast_in_dim3A_111, %broadcast_in_dim3A_108 : vector<1x256xf32>
      %sign3A_113 = tpu.bitcast %div3A_112 : vector<1x256xf32> -> vector<1x256xi32>
      %sign3A_114 = arith.constant -2147483648 : i32
      %sign3A_115 = vector.broadcast %sign3A_114 : i32 to vector<1x256xi32>
      %sign3A_116 = arith.andi %sign3A_113, %sign3A_115 : vector<1x256xi32>
      %sign3A_117 = arith.constant 1065353216 : i32
      %sign3A_118 = vector.broadcast %sign3A_117 : i32 to vector<1x256xi32>
      %sign3A_119 = arith.ori %sign3A_118, %sign3A_116 : vector<1x256xi32>
      %sign3A_120 = tpu.bitcast %sign3A_119 : vector<1x256xi32> -> vector<1x256xf32>
      %sign3A_121 = math.absf %div3A_112 : vector<1x256xf32>
      %sign3A_122 = arith.constant 0.000000e+00 : f32
      %sign3A_123 = vector.broadcast %sign3A_122 : f32 to vector<1x256xf32>
      %sign3A_124 = arith.cmpf ogt, %sign3A_121, %sign3A_123 : vector<1x256xf32>
      %sign3A_125 = arith.select %sign3A_124, %sign3A_120, %div3A_112 : vector<1x256xi1>, vector<1x256xf32>
      %abs3A_126 = math.absf %div3A_112 : vector<1x256xf32>
      %mul3A_127 = arith.constant 1.44269502 : f32
      %mul3A_128 = vector.broadcast %mul3A_127 : f32 to vector<1x256xf32>
      %mul3A_129 = arith.mulf %abs3A_126, %mul3A_128 : vector<1x256xf32>
      %exp23A_130 = math.exp2 %mul3A_129 : vector<1x256xf32>
      %sub3A_131 = arith.constant 1.000000e+00 : f32
      %sub3A_132 = vector.broadcast %sub3A_131 : f32 to vector<1x256xf32>
      %sub3A_133 = arith.subf %exp23A_130, %sub3A_132 : vector<1x256xf32>
      %mul3A_134 = arith.mulf %sign3A_125, %sub3A_133 : vector<1x256xf32>
      %broadcast_in_dim3A_135 = vector.shape_cast %mul3A_134 : vector<1x256xf32> to vector<1x1x256xf32>
      %mul3A_136 = arith.constant 256 : i32
      %mul3A_137 = arith.muli %scan3A_93, %mul3A_136 : i32
      %swap3A_138 = arith.constant 0 : index
      %swap3A_139 = arith.constant 0 : index
      %swap3A_140 = arith.index_cast %mul3A_137 : i32 to index
      %swap3A_141 = vector.load %arg3[%swap3A_138, %swap3A_139, %swap3A_140] : memref<1x1x8192xf32, #tpu.memory_space<vmem>>, vector<1x1x256xf32>
      tpu.vector_store %arg3[%swap3A_138, %swap3A_139, %swap3A_140], %broadcast_in_dim3A_135 {strides = array<i32>} : memref<1x1x8192xf32, #tpu.memory_space<vmem>>, vector<1x1x256xf32>,
      %scan3A_142 = arith.constant 3 : i32
      %scan3A_143 = arith.addi %scan3A_4, %scan3A_142 : i32
      %mul3A_144 = arith.constant 256 : i32
      %mul3A_145 = arith.muli %scan3A_143, %mul3A_144 : i32
      %get3A_146 = arith.index_cast %mul3A_145 : i32 to index
      %get3A_147 = arith.constant 0 : index
      %get3A_148 = vector.load %arg1[%get3A_146, %get3A_147] : memref<8192x16xf32, #tpu.memory_space<vmem>>, vector<256x16xf32>
      %mul3A_149 = arith.constant 256 : i32
      %mul3A_150 = arith.muli %scan3A_143, %mul3A_149 : i32
      %get3A_151 = arith.index_cast %mul3A_150 : i32 to index
      %get3A_152 = arith.constant 0 : index
      %get3A_153 = vector.load %arg2[%get3A_151, %get3A_152] : memref<8192x16xf32, #tpu.memory_space<vmem>>, vector<256x16xf32>
      %transpose3A_154 = tpu.transpose %get3A_148, [1, 0] : vector<256x16xf32> -> vector<16x256xf32>
      %transpose3A_155 = tpu.transpose %get3A_153, [1, 0] : vector<256x16xf32> -> vector<16x256xf32>
      %reduce_sum3A_156 = arith.constant dense<0.000000e+00> : vector<256xf32>
      %reduce_sum3A_157 = vector.multi_reduction <add>, %transpose3A_154, %reduce_sum3A_156 [0] : vector<16x256xf32> to vector<256xf32>
      %broadcast_in_dim3A_158 = vector.shape_cast %reduce_sum3A_157 : vector<256xf32> to vector<1x256xf32>
      %reduce_sum3A_159 = arith.constant dense<0.000000e+00> : vector<256xf32>
      %reduce_sum3A_160 = vector.multi_reduction <add>, %transpose3A_155, %reduce_sum3A_159 [0] : vector<16x256xf32> to vector<256xf32>
      %broadcast_in_dim3A_161 = vector.shape_cast %reduce_sum3A_160 : vector<256xf32> to vector<1x256xf32>
      %div3A_162 = arith.divf %broadcast_in_dim3A_161, %broadcast_in_dim3A_158 : vector<1x256xf32>
      %sign3A_163 = tpu.bitcast %div3A_162 : vector<1x256xf32> -> vector<1x256xi32>
      %sign3A_164 = arith.constant -2147483648 : i32
      %sign3A_165 = vector.broadcast %sign3A_164 : i32 to vector<1x256xi32>
      %sign3A_166 = arith.andi %sign3A_163, %sign3A_165 : vector<1x256xi32>
      %sign3A_167 = arith.constant 1065353216 : i32
      %sign3A_168 = vector.broadcast %sign3A_167 : i32 to vector<1x256xi32>
      %sign3A_169 = arith.ori %sign3A_168, %sign3A_166 : vector<1x256xi32>
      %sign3A_170 = tpu.bitcast %sign3A_169 : vector<1x256xi32> -> vector<1x256xf32>
      %sign3A_171 = math.absf %div3A_162 : vector<1x256xf32>
      %sign3A_172 = arith.constant 0.000000e+00 : f32
      %sign3A_173 = vector.broadcast %sign3A_172 : f32 to vector<1x256xf32>
      %sign3A_174 = arith.cmpf ogt, %sign3A_171, %sign3A_173 : vector<1x256xf32>
      %sign3A_175 = arith.select %sign3A_174, %sign3A_170, %div3A_162 : vector<1x256xi1>, vector<1x256xf32>
      %abs3A_176 = math.absf %div3A_162 : vector<1x256xf32>
      %mul3A_177 = arith.constant 1.44269502 : f32
      %mul3A_178 = vector.broadcast %mul3A_177 : f32 to vector<1x256xf32>
      %mul3A_179 = arith.mulf %abs3A_176, %mul3A_178 : vector<1x256xf32>
      %exp23A_180 = math.exp2 %mul3A_179 : vector<1x256xf32>
      %sub3A_181 = arith.constant 1.000000e+00 : f32
      %sub3A_182 = vector.broadcast %sub3A_181 : f32 to vector<1x256xf32>
      %sub3A_183 = arith.subf %exp23A_180, %sub3A_182 : vector<1x256xf32>
      %mul3A_184 = arith.mulf %sign3A_175, %sub3A_183 : vector<1x256xf32>
      %broadcast_in_dim3A_185 = vector.shape_cast %mul3A_184 : vector<1x256xf32> to vector<1x1x256xf32>
      %mul3A_186 = arith.constant 256 : i32
      %mul3A_187 = arith.muli %scan3A_143, %mul3A_186 : i32
      %swap3A_188 = arith.constant 0 : index
      %swap3A_189 = arith.constant 0 : index
      %swap3A_190 = arith.index_cast %mul3A_187 : i32 to index
      %swap3A_191 = vector.load %arg3[%swap3A_188, %swap3A_189, %swap3A_190] : memref<1x1x8192xf32, #tpu.memory_space<vmem>>, vector<1x1x256xf32>
      tpu.vector_store %arg3[%swap3A_188, %swap3A_189, %swap3A_190], %broadcast_in_dim3A_185 {strides = array<i32>} : memref<1x1x8192xf32, #tpu.memory_space<vmem>>, vector<1x1x256xf32>,
      %scan3A_192 = arith.constant 4 : i32
      %scan3A_193 = arith.addi %scan3A_4, %scan3A_192 : i32
      %mul3A_194 = arith.constant 256 : i32
      %mul3A_195 = arith.muli %scan3A_193, %mul3A_194 : i32
      %get3A_196 = arith.index_cast %mul3A_195 : i32 to index
      %get3A_197 = arith.constant 0 : index
      %get3A_198 = vector.load %arg1[%get3A_196, %get3A_197] : memref<8192x16xf32, #tpu.memory_space<vmem>>, vector<256x16xf32>
      %mul3A_199 = arith.constant 256 : i32
      %mul3A_200 = arith.muli %scan3A_193, %mul3A_199 : i32
      %get3A_201 = arith.index_cast %mul3A_200 : i32 to index
      %get3A_202 = arith.constant 0 : index
      %get3A_203 = vector.load %arg2[%get3A_201, %get3A_202] : memref<8192x16xf32, #tpu.memory_space<vmem>>, vector<256x16xf32>
      %transpose3A_204 = tpu.transpose %get3A_198, [1, 0] : vector<256x16xf32> -> vector<16x256xf32>
      %transpose3A_205 = tpu.transpose %get3A_203, [1, 0] : vector<256x16xf32> -> vector<16x256xf32>
      %reduce_sum3A_206 = arith.constant dense<0.000000e+00> : vector<256xf32>
      %reduce_sum3A_207 = vector.multi_reduction <add>, %transpose3A_204, %reduce_sum3A_206 [0] : vector<16x256xf32> to vector<256xf32>
      %broadcast_in_dim3A_208 = vector.shape_cast %reduce_sum3A_207 : vector<256xf32> to vector<1x256xf32>
      %reduce_sum3A_209 = arith.constant dense<0.000000e+00> : vector<256xf32>
      %reduce_sum3A_210 = vector.multi_reduction <add>, %transpose3A_205, %reduce_sum3A_209 [0] : vector<16x256xf32> to vector<256xf32>
      %broadcast_in_dim3A_211 = vector.shape_cast %reduce_sum3A_210 : vector<256xf32> to vector<1x256xf32>
      %div3A_212 = arith.divf %broadcast_in_dim3A_211, %broadcast_in_dim3A_208 : vector<1x256xf32>
      %sign3A_213 = tpu.bitcast %div3A_212 : vector<1x256xf32> -> vector<1x256xi32>
      %sign3A_214 = arith.constant -2147483648 : i32
      %sign3A_215 = vector.broadcast %sign3A_214 : i32 to vector<1x256xi32>
      %sign3A_216 = arith.andi %sign3A_213, %sign3A_215 : vector<1x256xi32>
      %sign3A_217 = arith.constant 1065353216 : i32
      %sign3A_218 = vector.broadcast %sign3A_217 : i32 to vector<1x256xi32>
      %sign3A_219 = arith.ori %sign3A_218, %sign3A_216 : vector<1x256xi32>
      %sign3A_220 = tpu.bitcast %sign3A_219 : vector<1x256xi32> -> vector<1x256xf32>
      %sign3A_221 = math.absf %div3A_212 : vector<1x256xf32>
      %sign3A_222 = arith.constant 0.000000e+00 : f32
      %sign3A_223 = vector.broadcast %sign3A_222 : f32 to vector<1x256xf32>
      %sign3A_224 = arith.cmpf ogt, %sign3A_221, %sign3A_223 : vector<1x256xf32>
      %sign3A_225 = arith.select %sign3A_224, %sign3A_220, %div3A_212 : vector<1x256xi1>, vector<1x256xf32>
      %abs3A_226 = math.absf %div3A_212 : vector<1x256xf32>
      %mul3A_227 = arith.constant 1.44269502 : f32
      %mul3A_228 = vector.broadcast %mul3A_227 : f32 to vector<1x256xf32>
      %mul3A_229 = arith.mulf %abs3A_226, %mul3A_228 : vector<1x256xf32>
      %exp23A_230 = math.exp2 %mul3A_229 : vector<1x256xf32>
      %sub3A_231 = arith.constant 1.000000e+00 : f32
      %sub3A_232 = vector.broadcast %sub3A_231 : f32 to vector<1x256xf32>
      %sub3A_233 = arith.subf %exp23A_230, %sub3A_232 : vector<1x256xf32>
      %mul3A_234 = arith.mulf %sign3A_225, %sub3A_233 : vector<1x256xf32>
      %broadcast_in_dim3A_235 = vector.shape_cast %mul3A_234 : vector<1x256xf32> to vector<1x1x256xf32>
      %mul3A_236 = arith.constant 256 : i32
      %mul3A_237 = arith.muli %scan3A_193, %mul3A_236 : i32
      %swap3A_238 = arith.constant 0 : index
      %swap3A_239 = arith.constant 0 : index
      %swap3A_240 = arith.index_cast %mul3A_237 : i32 to index
      %swap3A_241 = vector.load %arg3[%swap3A_238, %swap3A_239, %swap3A_240] : memref<1x1x8192xf32, #tpu.memory_space<vmem>>, vector<1x1x256xf32>
      tpu.vector_store %arg3[%swap3A_238, %swap3A_239, %swap3A_240], %broadcast_in_dim3A_235 {strides = array<i32>} : memref<1x1x8192xf32, #tpu.memory_space<vmem>>, vector<1x1x256xf32>,
      %scan3A_242 = arith.constant 5 : i32
      %scan3A_243 = arith.addi %scan3A_4, %scan3A_242 : i32
      %mul3A_244 = arith.constant 256 : i32
      %mul3A_245 = arith.muli %scan3A_243, %mul3A_244 : i32
      %get3A_246 = arith.index_cast %mul3A_245 : i32 to index
      %get3A_247 = arith.constant 0 : index
      %get3A_248 = vector.load %arg1[%get3A_246, %get3A_247] : memref<8192x16xf32, #tpu.memory_space<vmem>>, vector<256x16xf32>
      %mul3A_249 = arith.constant 256 : i32
      %mul3A_250 = arith.muli %scan3A_243, %mul3A_249 : i32
      %get3A_251 = arith.index_cast %mul3A_250 : i32 to index
      %get3A_252 = arith.constant 0 : index
      %get3A_253 = vector.load %arg2[%get3A_251, %get3A_252] : memref<8192x16xf32, #tpu.memory_space<vmem>>, vector<256x16xf32>
      %transpose3A_254 = tpu.transpose %get3A_248, [1, 0] : vector<256x16xf32> -> vector<16x256xf32>
      %transpose3A_255 = tpu.transpose %get3A_253, [1, 0] : vector<256x16xf32> -> vector<16x256xf32>
      %reduce_sum3A_256 = arith.constant dense<0.000000e+00> : vector<256xf32>
      %reduce_sum3A_257 = vector.multi_reduction <add>, %transpose3A_254, %reduce_sum3A_256 [0] : vector<16x256xf32> to vector<256xf32>
      %broadcast_in_dim3A_258 = vector.shape_cast %reduce_sum3A_257 : vector<256xf32> to vector<1x256xf32>
      %reduce_sum3A_259 = arith.constant dense<0.000000e+00> : vector<256xf32>
      %reduce_sum3A_260 = vector.multi_reduction <add>, %transpose3A_255, %reduce_sum3A_259 [0] : vector<16x256xf32> to vector<256xf32>
      %broadcast_in_dim3A_261 = vector.shape_cast %reduce_sum3A_260 : vector<256xf32> to vector<1x256xf32>
      %div3A_262 = arith.divf %broadcast_in_dim3A_261, %broadcast_in_dim3A_258 : vector<1x256xf32>
      %sign3A_263 = tpu.bitcast %div3A_262 : vector<1x256xf32> -> vector<1x256xi32>
      %sign3A_264 = arith.constant -2147483648 : i32
      %sign3A_265 = vector.broadcast %sign3A_264 : i32 to vector<1x256xi32>
      %sign3A_266 = arith.andi %sign3A_263, %sign3A_265 : vector<1x256xi32>
      %sign3A_267 = arith.constant 1065353216 : i32
      %sign3A_268 = vector.broadcast %sign3A_267 : i32 to vector<1x256xi32>
      %sign3A_269 = arith.ori %sign3A_268, %sign3A_266 : vector<1x256xi32>
      %sign3A_270 = tpu.bitcast %sign3A_269 : vector<1x256xi32> -> vector<1x256xf32>
      %sign3A_271 = math.absf %div3A_262 : vector<1x256xf32>
      %sign3A_272 = arith.constant 0.000000e+00 : f32
      %sign3A_273 = vector.broadcast %sign3A_272 : f32 to vector<1x256xf32>
      %sign3A_274 = arith.cmpf ogt, %sign3A_271, %sign3A_273 : vector<1x256xf32>
      %sign3A_275 = arith.select %sign3A_274, %sign3A_270, %div3A_262 : vector<1x256xi1>, vector<1x256xf32>
      %abs3A_276 = math.absf %div3A_262 : vector<1x256xf32>
      %mul3A_277 = arith.constant 1.44269502 : f32
      %mul3A_278 = vector.broadcast %mul3A_277 : f32 to vector<1x256xf32>
      %mul3A_279 = arith.mulf %abs3A_276, %mul3A_278 : vector<1x256xf32>
      %exp23A_280 = math.exp2 %mul3A_279 : vector<1x256xf32>
      %sub3A_281 = arith.constant 1.000000e+00 : f32
      %sub3A_282 = vector.broadcast %sub3A_281 : f32 to vector<1x256xf32>
      %sub3A_283 = arith.subf %exp23A_280, %sub3A_282 : vector<1x256xf32>
      %mul3A_284 = arith.mulf %sign3A_275, %sub3A_283 : vector<1x256xf32>
      %broadcast_in_dim3A_285 = vector.shape_cast %mul3A_284 : vector<1x256xf32> to vector<1x1x256xf32>
      %mul3A_286 = arith.constant 256 : i32
      %mul3A_287 = arith.muli %scan3A_243, %mul3A_286 : i32
      %swap3A_288 = arith.constant 0 : index
      %swap3A_289 = arith.constant 0 : index
      %swap3A_290 = arith.index_cast %mul3A_287 : i32 to index
      %swap3A_291 = vector.load %arg3[%swap3A_288, %swap3A_289, %swap3A_290] : memref<1x1x8192xf32, #tpu.memory_space<vmem>>, vector<1x1x256xf32>
      tpu.vector_store %arg3[%swap3A_288, %swap3A_289, %swap3A_290], %broadcast_in_dim3A_285 {strides = array<i32>} : memref<1x1x8192xf32, #tpu.memory_space<vmem>>, vector<1x1x256xf32>,
      %scan3A_292 = arith.constant 6 : i32
      %scan3A_293 = arith.addi %scan3A_4, %scan3A_292 : i32
      %mul3A_294 = arith.constant 256 : i32
      %mul3A_295 = arith.muli %scan3A_293, %mul3A_294 : i32
      %get3A_296 = arith.index_cast %mul3A_295 : i32 to index
      %get3A_297 = arith.constant 0 : index
      %get3A_298 = vector.load %arg1[%get3A_296, %get3A_297] : memref<8192x16xf32, #tpu.memory_space<vmem>>, vector<256x16xf32>
      %mul3A_299 = arith.constant 256 : i32
      %mul3A_300 = arith.muli %scan3A_293, %mul3A_299 : i32
      %get3A_301 = arith.index_cast %mul3A_300 : i32 to index
      %get3A_302 = arith.constant 0 : index
      %get3A_303 = vector.load %arg2[%get3A_301, %get3A_302] : memref<8192x16xf32, #tpu.memory_space<vmem>>, vector<256x16xf32>
      %transpose3A_304 = tpu.transpose %get3A_298, [1, 0] : vector<256x16xf32> -> vector<16x256xf32>
      %transpose3A_305 = tpu.transpose %get3A_303, [1, 0] : vector<256x16xf32> -> vector<16x256xf32>
      %reduce_sum3A_306 = arith.constant dense<0.000000e+00> : vector<256xf32>
      %reduce_sum3A_307 = vector.multi_reduction <add>, %transpose3A_304, %reduce_sum3A_306 [0] : vector<16x256xf32> to vector<256xf32>
      %broadcast_in_dim3A_308 = vector.shape_cast %reduce_sum3A_307 : vector<256xf32> to vector<1x256xf32>
      %reduce_sum3A_309 = arith.constant dense<0.000000e+00> : vector<256xf32>
      %reduce_sum3A_310 = vector.multi_reduction <add>, %transpose3A_305, %reduce_sum3A_309 [0] : vector<16x256xf32> to vector<256xf32>
      %broadcast_in_dim3A_311 = vector.shape_cast %reduce_sum3A_310 : vector<256xf32> to vector<1x256xf32>
      %div3A_312 = arith.divf %broadcast_in_dim3A_311, %broadcast_in_dim3A_308 : vector<1x256xf32>
      %sign3A_313 = tpu.bitcast %div3A_312 : vector<1x256xf32> -> vector<1x256xi32>
      %sign3A_314 = arith.constant -2147483648 : i32
      %sign3A_315 = vector.broadcast %sign3A_314 : i32 to vector<1x256xi32>
      %sign3A_316 = arith.andi %sign3A_313, %sign3A_315 : vector<1x256xi32>
      %sign3A_317 = arith.constant 1065353216 : i32
      %sign3A_318 = vector.broadcast %sign3A_317 : i32 to vector<1x256xi32>
      %sign3A_319 = arith.ori %sign3A_318, %sign3A_316 : vector<1x256xi32>
      %sign3A_320 = tpu.bitcast %sign3A_319 : vector<1x256xi32> -> vector<1x256xf32>
      %sign3A_321 = math.absf %div3A_312 : vector<1x256xf32>
      %sign3A_322 = arith.constant 0.000000e+00 : f32
      %sign3A_323 = vector.broadcast %sign3A_322 : f32 to vector<1x256xf32>
      %sign3A_324 = arith.cmpf ogt, %sign3A_321, %sign3A_323 : vector<1x256xf32>
      %sign3A_325 = arith.select %sign3A_324, %sign3A_320, %div3A_312 : vector<1x256xi1>, vector<1x256xf32>
      %abs3A_326 = math.absf %div3A_312 : vector<1x256xf32>
      %mul3A_327 = arith.constant 1.44269502 : f32
      %mul3A_328 = vector.broadcast %mul3A_327 : f32 to vector<1x256xf32>
      %mul3A_329 = arith.mulf %abs3A_326, %mul3A_328 : vector<1x256xf32>
      %exp23A_330 = math.exp2 %mul3A_329 : vector<1x256xf32>
      %sub3A_331 = arith.constant 1.000000e+00 : f32
      %sub3A_332 = vector.broadcast %sub3A_331 : f32 to vector<1x256xf32>
      %sub3A_333 = arith.subf %exp23A_330, %sub3A_332 : vector<1x256xf32>
      %mul3A_334 = arith.mulf %sign3A_325, %sub3A_333 : vector<1x256xf32>
      %broadcast_in_dim3A_335 = vector.shape_cast %mul3A_334 : vector<1x256xf32> to vector<1x1x256xf32>
      %mul3A_336 = arith.constant 256 : i32
      %mul3A_337 = arith.muli %scan3A_293, %mul3A_336 : i32
      %swap3A_338 = arith.constant 0 : index
      %swap3A_339 = arith.constant 0 : index
      %swap3A_340 = arith.index_cast %mul3A_337 : i32 to index
      %swap3A_341 = vector.load %arg3[%swap3A_338, %swap3A_339, %swap3A_340] : memref<1x1x8192xf32, #tpu.memory_space<vmem>>, vector<1x1x256xf32>
      tpu.vector_store %arg3[%swap3A_338, %swap3A_339, %swap3A_340], %broadcast_in_dim3A_335 {strides = array<i32>} : memref<1x1x8192xf32, #tpu.memory_space<vmem>>, vector<1x1x256xf32>,
      %scan3A_342 = arith.constant 7 : i32
      %scan3A_343 = arith.addi %scan3A_4, %scan3A_342 : i32
      %mul3A_344 = arith.constant 256 : i32
      %mul3A_345 = arith.muli %scan3A_343, %mul3A_344 : i32
      %get3A_346 = arith.index_cast %mul3A_345 : i32 to index
      %get3A_347 = arith.constant 0 : index
      %get3A_348 = vector.load %arg1[%get3A_346, %get3A_347] : memref<8192x16xf32, #tpu.memory_space<vmem>>, vector<256x16xf32>
      %mul3A_349 = arith.constant 256 : i32
      %mul3A_350 = arith.muli %scan3A_343, %mul3A_349 : i32
      %get3A_351 = arith.index_cast %mul3A_350 : i32 to index
      %get3A_352 = arith.constant 0 : index
      %get3A_353 = vector.load %arg2[%get3A_351, %get3A_352] : memref<8192x16xf32, #tpu.memory_space<vmem>>, vector<256x16xf32>
      %transpose3A_354 = tpu.transpose %get3A_348, [1, 0] : vector<256x16xf32> -> vector<16x256xf32>
      %transpose3A_355 = tpu.transpose %get3A_353, [1, 0] : vector<256x16xf32> -> vector<16x256xf32>
      %reduce_sum3A_356 = arith.constant dense<0.000000e+00> : vector<256xf32>
      %reduce_sum3A_357 = vector.multi_reduction <add>, %transpose3A_354, %reduce_sum3A_356 [0] : vector<16x256xf32> to vector<256xf32>
      %broadcast_in_dim3A_358 = vector.shape_cast %reduce_sum3A_357 : vector<256xf32> to vector<1x256xf32>
      %reduce_sum3A_359 = arith.constant dense<0.000000e+00> : vector<256xf32>
      %reduce_sum3A_360 = vector.multi_reduction <add>, %transpose3A_355, %reduce_sum3A_359 [0] : vector<16x256xf32> to vector<256xf32>
      %broadcast_in_dim3A_361 = vector.shape_cast %reduce_sum3A_360 : vector<256xf32> to vector<1x256xf32>
      %div3A_362 = arith.divf %broadcast_in_dim3A_361, %broadcast_in_dim3A_358 : vector<1x256xf32>
      %sign3A_363 = tpu.bitcast %div3A_362 : vector<1x256xf32> -> vector<1x256xi32>
      %sign3A_364 = arith.constant -2147483648 : i32
      %sign3A_365 = vector.broadcast %sign3A_364 : i32 to vector<1x256xi32>
      %sign3A_366 = arith.andi %sign3A_363, %sign3A_365 : vector<1x256xi32>
      %sign3A_367 = arith.constant 1065353216 : i32
      %sign3A_368 = vector.broadcast %sign3A_367 : i32 to vector<1x256xi32>
      %sign3A_369 = arith.ori %sign3A_368, %sign3A_366 : vector<1x256xi32>
      %sign3A_370 = tpu.bitcast %sign3A_369 : vector<1x256xi32> -> vector<1x256xf32>
      %sign3A_371 = math.absf %div3A_362 : vector<1x256xf32>
      %sign3A_372 = arith.constant 0.000000e+00 : f32
      %sign3A_373 = vector.broadcast %sign3A_372 : f32 to vector<1x256xf32>
      %sign3A_374 = arith.cmpf ogt, %sign3A_371, %sign3A_373 : vector<1x256xf32>
      %sign3A_375 = arith.select %sign3A_374, %sign3A_370, %div3A_362 : vector<1x256xi1>, vector<1x256xf32>
      %abs3A_376 = math.absf %div3A_362 : vector<1x256xf32>
      %mul3A_377 = arith.constant 1.44269502 : f32
      %mul3A_378 = vector.broadcast %mul3A_377 : f32 to vector<1x256xf32>
      %mul3A_379 = arith.mulf %abs3A_376, %mul3A_378 : vector<1x256xf32>
      %exp23A_380 = math.exp2 %mul3A_379 : vector<1x256xf32>
      %sub3A_381 = arith.constant 1.000000e+00 : f32
      %sub3A_382 = vector.broadcast %sub3A_381 : f32 to vector<1x256xf32>
      %sub3A_383 = arith.subf %exp23A_380, %sub3A_382 : vector<1x256xf32>
      %mul3A_384 = arith.mulf %sign3A_375, %sub3A_383 : vector<1x256xf32>
      %broadcast_in_dim3A_385 = vector.shape_cast %mul3A_384 : vector<1x256xf32> to vector<1x1x256xf32>
      %mul3A_386 = arith.constant 256 : i32
      %mul3A_387 = arith.muli %scan3A_343, %mul3A_386 : i32
      %swap3A_388 = arith.constant 0 : index
      %swap3A_389 = arith.constant 0 : index
      %swap3A_390 = arith.index_cast %mul3A_387 : i32 to index
      %swap3A_391 = vector.load %arg3[%swap3A_388, %swap3A_389, %swap3A_390] : memref<1x1x8192xf32, #tpu.memory_space<vmem>>, vector<1x1x256xf32>
      tpu.vector_store %arg3[%swap3A_388, %swap3A_389, %swap3A_390], %broadcast_in_dim3A_385 {strides = array<i32>} : memref<1x1x8192xf32, #tpu.memory_space<vmem>>, vector<1x1x256xf32>,
    }
    %scan3A_3 = arith.constant 32 : i32
    return
  }
  func.func @transform_0(%arg0: i32) -> (i32, i32) {
    %c0_i32 = arith.constant 0 : i32
    %c0_i32_0 = arith.constant 0 : i32
    return %arg0, %c0_i32 : i32, i32
  }
  func.func @transform_1(%arg0: i32) -> (i32, i32) {
    %c0_i32 = arith.constant 0 : i32
    %c0_i32_0 = arith.constant 0 : i32
    return %arg0, %c0_i32 : i32, i32
  }
  func.func @transform_2(%arg0: i32) -> (i32, i32, i32) {
    %c0_i32 = arith.constant 0 : i32
    %c0_i32_0 = arith.constant 0 : i32
    %c0_i32_1 = arith.constant 0 : i32
    return %arg0, %c0_i32, %c0_i32_0 : i32, i32, i32
  }
}

module attributes {stable_mosaic.version = 14 : i64} {
  func.func @_tc_body(%arg0: i32, %arg1: memref<8192x255xf32, #tpu.memory_space<vmem>>, %arg2: memref<255x1xf32, #tpu.memory_space<vmem>>, %arg3: memref<1x1x8192xf32, #tpu.memory_space<vmem>>) attributes {dimension_semantics = [#tpu.dimension_semantics<parallel>], iteration_bounds = array<i64: 14>, scalar_prefetch = 0 : i64, scratch_operands = 0 : i64, tpu.core_type = #tpu.core_type<tc>, window_params = [{transform_indices = @transform_0, window_bounds = array<i64: 8192, 255>}, {pipeline_mode = #tpu.pipeline_mode<synchronous>, transform_indices = @transform_1, window_bounds = array<i64: 255, 1>}, {transform_indices = @transform_2, window_bounds = array<i64: 1, 1, 8192>}]} {
    %get3A = arith.constant 0 : index
    %get3A_0 = arith.constant 0 : index
    %get3A_1 = vector.load %arg2[%get3A, %get3A_0] : memref<255x1xf32, #tpu.memory_space<vmem>>, vector<255x1xf32>
    %scan3A = arith.constant 0 : i32
    %scan3A_2 = arith.constant 32 : i32
    %scan3A_3 = arith.addi %scan3A, %scan3A_2 : i32
    %scan3A_4 = arith.constant 16 : i32
    scf.for %scan3A_6 = %scan3A to %scan3A_3 step %scan3A_4  : i32 {
      %mul3A = arith.constant 256 : i32
      %mul3A_7 = arith.muli %scan3A_6, %mul3A : i32
      %get3A_8 = arith.index_cast %mul3A_7 : i32 to index
      %get3A_9 = arith.constant 0 : index
      %get3A_10 = vector.load %arg1[%get3A_8, %get3A_9] : memref<8192x255xf32, #tpu.memory_space<vmem>>, vector<256x255xf32>
      %transpose3A = tpu.transpose %get3A_10, [1, 0] : vector<256x255xf32> -> vector<255x256xf32>
      %mul3A_11 = arith.constant 1.44269502 : f32
      %mul3A_12 = vector.broadcast %mul3A_11 : f32 to vector<255x256xf32>
      %mul3A_13 = arith.mulf %transpose3A, %mul3A_12 : vector<255x256xf32>
      %exp23A = math.exp2 %mul3A_13 : vector<255x256xf32>
      %reduce_sum3A = arith.constant dense<0.000000e+00> : vector<256xf32>
      %reduce_sum3A_14 = vector.multi_reduction <add>, %exp23A, %reduce_sum3A [0] : vector<255x256xf32> to vector<256xf32>
      %broadcast_in_dim3A = vector.shape_cast %reduce_sum3A_14 : vector<256xf32> to vector<1x256xf32>
      %mul3A_15 = vector.broadcast %get3A_1 : vector<255x1xf32> to vector<255x256xf32>
      %mul3A_16 = arith.mulf %exp23A, %mul3A_15 : vector<255x256xf32>
      %reduce_sum3A_17 = arith.constant dense<0.000000e+00> : vector<256xf32>
      %reduce_sum3A_18 = vector.multi_reduction <add>, %mul3A_16, %reduce_sum3A_17 [0] : vector<255x256xf32> to vector<256xf32>
      %broadcast_in_dim3A_19 = vector.shape_cast %reduce_sum3A_18 : vector<256xf32> to vector<1x256xf32>
      %div3A = arith.divf %broadcast_in_dim3A_19, %broadcast_in_dim3A : vector<1x256xf32>
      %sign3A = tpu.bitcast %div3A : vector<1x256xf32> -> vector<1x256xi32>
      %sign3A_20 = arith.constant -2147483648 : i32
      %sign3A_21 = vector.broadcast %sign3A_20 : i32 to vector<1x256xi32>
      %sign3A_22 = arith.andi %sign3A, %sign3A_21 : vector<1x256xi32>
      %sign3A_23 = arith.constant 1065353216 : i32
      %sign3A_24 = vector.broadcast %sign3A_23 : i32 to vector<1x256xi32>
      %sign3A_25 = arith.ori %sign3A_24, %sign3A_22 : vector<1x256xi32>
      %sign3A_26 = tpu.bitcast %sign3A_25 : vector<1x256xi32> -> vector<1x256xf32>
      %sign3A_27 = math.absf %div3A : vector<1x256xf32>
      %sign3A_28 = arith.constant 0.000000e+00 : f32
      %sign3A_29 = vector.broadcast %sign3A_28 : f32 to vector<1x256xf32>
      %sign3A_30 = arith.cmpf ogt, %sign3A_27, %sign3A_29 : vector<1x256xf32>
      %sign3A_31 = arith.select %sign3A_30, %sign3A_26, %div3A : vector<1x256xi1>, vector<1x256xf32>
      %abs3A = math.absf %div3A : vector<1x256xf32>
      %mul3A_32 = arith.constant 1.44269502 : f32
      %mul3A_33 = vector.broadcast %mul3A_32 : f32 to vector<1x256xf32>
      %mul3A_34 = arith.mulf %abs3A, %mul3A_33 : vector<1x256xf32>
      %exp23A_35 = math.exp2 %mul3A_34 : vector<1x256xf32>
      %sub3A = arith.constant 1.000000e+00 : f32
      %sub3A_36 = vector.broadcast %sub3A : f32 to vector<1x256xf32>
      %sub3A_37 = arith.subf %exp23A_35, %sub3A_36 : vector<1x256xf32>
      %mul3A_38 = arith.mulf %sign3A_31, %sub3A_37 : vector<1x256xf32>
      %broadcast_in_dim3A_39 = vector.shape_cast %mul3A_38 : vector<1x256xf32> to vector<1x1x256xf32>
      %mul3A_40 = arith.constant 256 : i32
      %mul3A_41 = arith.muli %scan3A_6, %mul3A_40 : i32
      %swap3A = arith.constant 0 : index
      %swap3A_42 = arith.constant 0 : index
      %swap3A_43 = arith.index_cast %mul3A_41 : i32 to index
      %swap3A_44 = vector.load %arg3[%swap3A, %swap3A_42, %swap3A_43] : memref<1x1x8192xf32, #tpu.memory_space<vmem>>, vector<1x1x256xf32>
      tpu.vector_store %arg3[%swap3A, %swap3A_42, %swap3A_43], %broadcast_in_dim3A_39 {strides = array<i32>} : memref<1x1x8192xf32, #tpu.memory_space<vmem>>, vector<1x1x256xf32>,
      %scan3A_45 = arith.constant 1 : i32
      %scan3A_46 = arith.addi %scan3A_6, %scan3A_45 : i32
      %mul3A_47 = arith.constant 256 : i32
      %mul3A_48 = arith.muli %scan3A_46, %mul3A_47 : i32
      %get3A_49 = arith.index_cast %mul3A_48 : i32 to index
      %get3A_50 = arith.constant 0 : index
      %get3A_51 = vector.load %arg1[%get3A_49, %get3A_50] : memref<8192x255xf32, #tpu.memory_space<vmem>>, vector<256x255xf32>
      %transpose3A_52 = tpu.transpose %get3A_51, [1, 0] : vector<256x255xf32> -> vector<255x256xf32>
      %mul3A_53 = arith.constant 1.44269502 : f32
      %mul3A_54 = vector.broadcast %mul3A_53 : f32 to vector<255x256xf32>
      %mul3A_55 = arith.mulf %transpose3A_52, %mul3A_54 : vector<255x256xf32>
      %exp23A_56 = math.exp2 %mul3A_55 : vector<255x256xf32>
      %reduce_sum3A_57 = arith.constant dense<0.000000e+00> : vector<256xf32>
      %reduce_sum3A_58 = vector.multi_reduction <add>, %exp23A_56, %reduce_sum3A_57 [0] : vector<255x256xf32> to vector<256xf32>
      %broadcast_in_dim3A_59 = vector.shape_cast %reduce_sum3A_58 : vector<256xf32> to vector<1x256xf32>
      %mul3A_60 = vector.broadcast %get3A_1 : vector<255x1xf32> to vector<255x256xf32>
      %mul3A_61 = arith.mulf %exp23A_56, %mul3A_60 : vector<255x256xf32>
      %reduce_sum3A_62 = arith.constant dense<0.000000e+00> : vector<256xf32>
      %reduce_sum3A_63 = vector.multi_reduction <add>, %mul3A_61, %reduce_sum3A_62 [0] : vector<255x256xf32> to vector<256xf32>
      %broadcast_in_dim3A_64 = vector.shape_cast %reduce_sum3A_63 : vector<256xf32> to vector<1x256xf32>
      %div3A_65 = arith.divf %broadcast_in_dim3A_64, %broadcast_in_dim3A_59 : vector<1x256xf32>
      %sign3A_66 = tpu.bitcast %div3A_65 : vector<1x256xf32> -> vector<1x256xi32>
      %sign3A_67 = arith.constant -2147483648 : i32
      %sign3A_68 = vector.broadcast %sign3A_67 : i32 to vector<1x256xi32>
      %sign3A_69 = arith.andi %sign3A_66, %sign3A_68 : vector<1x256xi32>
      %sign3A_70 = arith.constant 1065353216 : i32
      %sign3A_71 = vector.broadcast %sign3A_70 : i32 to vector<1x256xi32>
      %sign3A_72 = arith.ori %sign3A_71, %sign3A_69 : vector<1x256xi32>
      %sign3A_73 = tpu.bitcast %sign3A_72 : vector<1x256xi32> -> vector<1x256xf32>
      %sign3A_74 = math.absf %div3A_65 : vector<1x256xf32>
      %sign3A_75 = arith.constant 0.000000e+00 : f32
      %sign3A_76 = vector.broadcast %sign3A_75 : f32 to vector<1x256xf32>
      %sign3A_77 = arith.cmpf ogt, %sign3A_74, %sign3A_76 : vector<1x256xf32>
      %sign3A_78 = arith.select %sign3A_77, %sign3A_73, %div3A_65 : vector<1x256xi1>, vector<1x256xf32>
      %abs3A_79 = math.absf %div3A_65 : vector<1x256xf32>
      %mul3A_80 = arith.constant 1.44269502 : f32
      %mul3A_81 = vector.broadcast %mul3A_80 : f32 to vector<1x256xf32>
      %mul3A_82 = arith.mulf %abs3A_79, %mul3A_81 : vector<1x256xf32>
      %exp23A_83 = math.exp2 %mul3A_82 : vector<1x256xf32>
      %sub3A_84 = arith.constant 1.000000e+00 : f32
      %sub3A_85 = vector.broadcast %sub3A_84 : f32 to vector<1x256xf32>
      %sub3A_86 = arith.subf %exp23A_83, %sub3A_85 : vector<1x256xf32>
      %mul3A_87 = arith.mulf %sign3A_78, %sub3A_86 : vector<1x256xf32>
      %broadcast_in_dim3A_88 = vector.shape_cast %mul3A_87 : vector<1x256xf32> to vector<1x1x256xf32>
      %mul3A_89 = arith.constant 256 : i32
      %mul3A_90 = arith.muli %scan3A_46, %mul3A_89 : i32
      %swap3A_91 = arith.constant 0 : index
      %swap3A_92 = arith.constant 0 : index
      %swap3A_93 = arith.index_cast %mul3A_90 : i32 to index
      %swap3A_94 = vector.load %arg3[%swap3A_91, %swap3A_92, %swap3A_93] : memref<1x1x8192xf32, #tpu.memory_space<vmem>>, vector<1x1x256xf32>
      tpu.vector_store %arg3[%swap3A_91, %swap3A_92, %swap3A_93], %broadcast_in_dim3A_88 {strides = array<i32>} : memref<1x1x8192xf32, #tpu.memory_space<vmem>>, vector<1x1x256xf32>,
      %scan3A_95 = arith.constant 2 : i32
      %scan3A_96 = arith.addi %scan3A_6, %scan3A_95 : i32
      %mul3A_97 = arith.constant 256 : i32
      %mul3A_98 = arith.muli %scan3A_96, %mul3A_97 : i32
      %get3A_99 = arith.index_cast %mul3A_98 : i32 to index
      %get3A_100 = arith.constant 0 : index
      %get3A_101 = vector.load %arg1[%get3A_99, %get3A_100] : memref<8192x255xf32, #tpu.memory_space<vmem>>, vector<256x255xf32>
      %transpose3A_102 = tpu.transpose %get3A_101, [1, 0] : vector<256x255xf32> -> vector<255x256xf32>
      %mul3A_103 = arith.constant 1.44269502 : f32
      %mul3A_104 = vector.broadcast %mul3A_103 : f32 to vector<255x256xf32>
      %mul3A_105 = arith.mulf %transpose3A_102, %mul3A_104 : vector<255x256xf32>
      %exp23A_106 = math.exp2 %mul3A_105 : vector<255x256xf32>
      %reduce_sum3A_107 = arith.constant dense<0.000000e+00> : vector<256xf32>
      %reduce_sum3A_108 = vector.multi_reduction <add>, %exp23A_106, %reduce_sum3A_107 [0] : vector<255x256xf32> to vector<256xf32>
      %broadcast_in_dim3A_109 = vector.shape_cast %reduce_sum3A_108 : vector<256xf32> to vector<1x256xf32>
      %mul3A_110 = vector.broadcast %get3A_1 : vector<255x1xf32> to vector<255x256xf32>
      %mul3A_111 = arith.mulf %exp23A_106, %mul3A_110 : vector<255x256xf32>
      %reduce_sum3A_112 = arith.constant dense<0.000000e+00> : vector<256xf32>
      %reduce_sum3A_113 = vector.multi_reduction <add>, %mul3A_111, %reduce_sum3A_112 [0] : vector<255x256xf32> to vector<256xf32>
      %broadcast_in_dim3A_114 = vector.shape_cast %reduce_sum3A_113 : vector<256xf32> to vector<1x256xf32>
      %div3A_115 = arith.divf %broadcast_in_dim3A_114, %broadcast_in_dim3A_109 : vector<1x256xf32>
      %sign3A_116 = tpu.bitcast %div3A_115 : vector<1x256xf32> -> vector<1x256xi32>
      %sign3A_117 = arith.constant -2147483648 : i32
      %sign3A_118 = vector.broadcast %sign3A_117 : i32 to vector<1x256xi32>
      %sign3A_119 = arith.andi %sign3A_116, %sign3A_118 : vector<1x256xi32>
      %sign3A_120 = arith.constant 1065353216 : i32
      %sign3A_121 = vector.broadcast %sign3A_120 : i32 to vector<1x256xi32>
      %sign3A_122 = arith.ori %sign3A_121, %sign3A_119 : vector<1x256xi32>
      %sign3A_123 = tpu.bitcast %sign3A_122 : vector<1x256xi32> -> vector<1x256xf32>
      %sign3A_124 = math.absf %div3A_115 : vector<1x256xf32>
      %sign3A_125 = arith.constant 0.000000e+00 : f32
      %sign3A_126 = vector.broadcast %sign3A_125 : f32 to vector<1x256xf32>
      %sign3A_127 = arith.cmpf ogt, %sign3A_124, %sign3A_126 : vector<1x256xf32>
      %sign3A_128 = arith.select %sign3A_127, %sign3A_123, %div3A_115 : vector<1x256xi1>, vector<1x256xf32>
      %abs3A_129 = math.absf %div3A_115 : vector<1x256xf32>
      %mul3A_130 = arith.constant 1.44269502 : f32
      %mul3A_131 = vector.broadcast %mul3A_130 : f32 to vector<1x256xf32>
      %mul3A_132 = arith.mulf %abs3A_129, %mul3A_131 : vector<1x256xf32>
      %exp23A_133 = math.exp2 %mul3A_132 : vector<1x256xf32>
      %sub3A_134 = arith.constant 1.000000e+00 : f32
      %sub3A_135 = vector.broadcast %sub3A_134 : f32 to vector<1x256xf32>
      %sub3A_136 = arith.subf %exp23A_133, %sub3A_135 : vector<1x256xf32>
      %mul3A_137 = arith.mulf %sign3A_128, %sub3A_136 : vector<1x256xf32>
      %broadcast_in_dim3A_138 = vector.shape_cast %mul3A_137 : vector<1x256xf32> to vector<1x1x256xf32>
      %mul3A_139 = arith.constant 256 : i32
      %mul3A_140 = arith.muli %scan3A_96, %mul3A_139 : i32
      %swap3A_141 = arith.constant 0 : index
      %swap3A_142 = arith.constant 0 : index
      %swap3A_143 = arith.index_cast %mul3A_140 : i32 to index
      %swap3A_144 = vector.load %arg3[%swap3A_141, %swap3A_142, %swap3A_143] : memref<1x1x8192xf32, #tpu.memory_space<vmem>>, vector<1x1x256xf32>
      tpu.vector_store %arg3[%swap3A_141, %swap3A_142, %swap3A_143], %broadcast_in_dim3A_138 {strides = array<i32>} : memref<1x1x8192xf32, #tpu.memory_space<vmem>>, vector<1x1x256xf32>,
      %scan3A_145 = arith.constant 3 : i32
      %scan3A_146 = arith.addi %scan3A_6, %scan3A_145 : i32
      %mul3A_147 = arith.constant 256 : i32
      %mul3A_148 = arith.muli %scan3A_146, %mul3A_147 : i32
      %get3A_149 = arith.index_cast %mul3A_148 : i32 to index
      %get3A_150 = arith.constant 0 : index
      %get3A_151 = vector.load %arg1[%get3A_149, %get3A_150] : memref<8192x255xf32, #tpu.memory_space<vmem>>, vector<256x255xf32>
      %transpose3A_152 = tpu.transpose %get3A_151, [1, 0] : vector<256x255xf32> -> vector<255x256xf32>
      %mul3A_153 = arith.constant 1.44269502 : f32
      %mul3A_154 = vector.broadcast %mul3A_153 : f32 to vector<255x256xf32>
      %mul3A_155 = arith.mulf %transpose3A_152, %mul3A_154 : vector<255x256xf32>
      %exp23A_156 = math.exp2 %mul3A_155 : vector<255x256xf32>
      %reduce_sum3A_157 = arith.constant dense<0.000000e+00> : vector<256xf32>
      %reduce_sum3A_158 = vector.multi_reduction <add>, %exp23A_156, %reduce_sum3A_157 [0] : vector<255x256xf32> to vector<256xf32>
      %broadcast_in_dim3A_159 = vector.shape_cast %reduce_sum3A_158 : vector<256xf32> to vector<1x256xf32>
      %mul3A_160 = vector.broadcast %get3A_1 : vector<255x1xf32> to vector<255x256xf32>
      %mul3A_161 = arith.mulf %exp23A_156, %mul3A_160 : vector<255x256xf32>
      %reduce_sum3A_162 = arith.constant dense<0.000000e+00> : vector<256xf32>
      %reduce_sum3A_163 = vector.multi_reduction <add>, %mul3A_161, %reduce_sum3A_162 [0] : vector<255x256xf32> to vector<256xf32>
      %broadcast_in_dim3A_164 = vector.shape_cast %reduce_sum3A_163 : vector<256xf32> to vector<1x256xf32>
      %div3A_165 = arith.divf %broadcast_in_dim3A_164, %broadcast_in_dim3A_159 : vector<1x256xf32>
      %sign3A_166 = tpu.bitcast %div3A_165 : vector<1x256xf32> -> vector<1x256xi32>
      %sign3A_167 = arith.constant -2147483648 : i32
      %sign3A_168 = vector.broadcast %sign3A_167 : i32 to vector<1x256xi32>
      %sign3A_169 = arith.andi %sign3A_166, %sign3A_168 : vector<1x256xi32>
      %sign3A_170 = arith.constant 1065353216 : i32
      %sign3A_171 = vector.broadcast %sign3A_170 : i32 to vector<1x256xi32>
      %sign3A_172 = arith.ori %sign3A_171, %sign3A_169 : vector<1x256xi32>
      %sign3A_173 = tpu.bitcast %sign3A_172 : vector<1x256xi32> -> vector<1x256xf32>
      %sign3A_174 = math.absf %div3A_165 : vector<1x256xf32>
      %sign3A_175 = arith.constant 0.000000e+00 : f32
      %sign3A_176 = vector.broadcast %sign3A_175 : f32 to vector<1x256xf32>
      %sign3A_177 = arith.cmpf ogt, %sign3A_174, %sign3A_176 : vector<1x256xf32>
      %sign3A_178 = arith.select %sign3A_177, %sign3A_173, %div3A_165 : vector<1x256xi1>, vector<1x256xf32>
      %abs3A_179 = math.absf %div3A_165 : vector<1x256xf32>
      %mul3A_180 = arith.constant 1.44269502 : f32
      %mul3A_181 = vector.broadcast %mul3A_180 : f32 to vector<1x256xf32>
      %mul3A_182 = arith.mulf %abs3A_179, %mul3A_181 : vector<1x256xf32>
      %exp23A_183 = math.exp2 %mul3A_182 : vector<1x256xf32>
      %sub3A_184 = arith.constant 1.000000e+00 : f32
      %sub3A_185 = vector.broadcast %sub3A_184 : f32 to vector<1x256xf32>
      %sub3A_186 = arith.subf %exp23A_183, %sub3A_185 : vector<1x256xf32>
      %mul3A_187 = arith.mulf %sign3A_178, %sub3A_186 : vector<1x256xf32>
      %broadcast_in_dim3A_188 = vector.shape_cast %mul3A_187 : vector<1x256xf32> to vector<1x1x256xf32>
      %mul3A_189 = arith.constant 256 : i32
      %mul3A_190 = arith.muli %scan3A_146, %mul3A_189 : i32
      %swap3A_191 = arith.constant 0 : index
      %swap3A_192 = arith.constant 0 : index
      %swap3A_193 = arith.index_cast %mul3A_190 : i32 to index
      %swap3A_194 = vector.load %arg3[%swap3A_191, %swap3A_192, %swap3A_193] : memref<1x1x8192xf32, #tpu.memory_space<vmem>>, vector<1x1x256xf32>
      tpu.vector_store %arg3[%swap3A_191, %swap3A_192, %swap3A_193], %broadcast_in_dim3A_188 {strides = array<i32>} : memref<1x1x8192xf32, #tpu.memory_space<vmem>>, vector<1x1x256xf32>,
      %scan3A_195 = arith.constant 4 : i32
      %scan3A_196 = arith.addi %scan3A_6, %scan3A_195 : i32
      %mul3A_197 = arith.constant 256 : i32
      %mul3A_198 = arith.muli %scan3A_196, %mul3A_197 : i32
      %get3A_199 = arith.index_cast %mul3A_198 : i32 to index
      %get3A_200 = arith.constant 0 : index
      %get3A_201 = vector.load %arg1[%get3A_199, %get3A_200] : memref<8192x255xf32, #tpu.memory_space<vmem>>, vector<256x255xf32>
      %transpose3A_202 = tpu.transpose %get3A_201, [1, 0] : vector<256x255xf32> -> vector<255x256xf32>
      %mul3A_203 = arith.constant 1.44269502 : f32
      %mul3A_204 = vector.broadcast %mul3A_203 : f32 to vector<255x256xf32>
      %mul3A_205 = arith.mulf %transpose3A_202, %mul3A_204 : vector<255x256xf32>
      %exp23A_206 = math.exp2 %mul3A_205 : vector<255x256xf32>
      %reduce_sum3A_207 = arith.constant dense<0.000000e+00> : vector<256xf32>
      %reduce_sum3A_208 = vector.multi_reduction <add>, %exp23A_206, %reduce_sum3A_207 [0] : vector<255x256xf32> to vector<256xf32>
      %broadcast_in_dim3A_209 = vector.shape_cast %reduce_sum3A_208 : vector<256xf32> to vector<1x256xf32>
      %mul3A_210 = vector.broadcast %get3A_1 : vector<255x1xf32> to vector<255x256xf32>
      %mul3A_211 = arith.mulf %exp23A_206, %mul3A_210 : vector<255x256xf32>
      %reduce_sum3A_212 = arith.constant dense<0.000000e+00> : vector<256xf32>
      %reduce_sum3A_213 = vector.multi_reduction <add>, %mul3A_211, %reduce_sum3A_212 [0] : vector<255x256xf32> to vector<256xf32>
      %broadcast_in_dim3A_214 = vector.shape_cast %reduce_sum3A_213 : vector<256xf32> to vector<1x256xf32>
      %div3A_215 = arith.divf %broadcast_in_dim3A_214, %broadcast_in_dim3A_209 : vector<1x256xf32>
      %sign3A_216 = tpu.bitcast %div3A_215 : vector<1x256xf32> -> vector<1x256xi32>
      %sign3A_217 = arith.constant -2147483648 : i32
      %sign3A_218 = vector.broadcast %sign3A_217 : i32 to vector<1x256xi32>
      %sign3A_219 = arith.andi %sign3A_216, %sign3A_218 : vector<1x256xi32>
      %sign3A_220 = arith.constant 1065353216 : i32
      %sign3A_221 = vector.broadcast %sign3A_220 : i32 to vector<1x256xi32>
      %sign3A_222 = arith.ori %sign3A_221, %sign3A_219 : vector<1x256xi32>
      %sign3A_223 = tpu.bitcast %sign3A_222 : vector<1x256xi32> -> vector<1x256xf32>
      %sign3A_224 = math.absf %div3A_215 : vector<1x256xf32>
      %sign3A_225 = arith.constant 0.000000e+00 : f32
      %sign3A_226 = vector.broadcast %sign3A_225 : f32 to vector<1x256xf32>
      %sign3A_227 = arith.cmpf ogt, %sign3A_224, %sign3A_226 : vector<1x256xf32>
      %sign3A_228 = arith.select %sign3A_227, %sign3A_223, %div3A_215 : vector<1x256xi1>, vector<1x256xf32>
      %abs3A_229 = math.absf %div3A_215 : vector<1x256xf32>
      %mul3A_230 = arith.constant 1.44269502 : f32
      %mul3A_231 = vector.broadcast %mul3A_230 : f32 to vector<1x256xf32>
      %mul3A_232 = arith.mulf %abs3A_229, %mul3A_231 : vector<1x256xf32>
      %exp23A_233 = math.exp2 %mul3A_232 : vector<1x256xf32>
      %sub3A_234 = arith.constant 1.000000e+00 : f32
      %sub3A_235 = vector.broadcast %sub3A_234 : f32 to vector<1x256xf32>
      %sub3A_236 = arith.subf %exp23A_233, %sub3A_235 : vector<1x256xf32>
      %mul3A_237 = arith.mulf %sign3A_228, %sub3A_236 : vector<1x256xf32>
      %broadcast_in_dim3A_238 = vector.shape_cast %mul3A_237 : vector<1x256xf32> to vector<1x1x256xf32>
      %mul3A_239 = arith.constant 256 : i32
      %mul3A_240 = arith.muli %scan3A_196, %mul3A_239 : i32
      %swap3A_241 = arith.constant 0 : index
      %swap3A_242 = arith.constant 0 : index
      %swap3A_243 = arith.index_cast %mul3A_240 : i32 to index
      %swap3A_244 = vector.load %arg3[%swap3A_241, %swap3A_242, %swap3A_243] : memref<1x1x8192xf32, #tpu.memory_space<vmem>>, vector<1x1x256xf32>
      tpu.vector_store %arg3[%swap3A_241, %swap3A_242, %swap3A_243], %broadcast_in_dim3A_238 {strides = array<i32>} : memref<1x1x8192xf32, #tpu.memory_space<vmem>>, vector<1x1x256xf32>,
      %scan3A_245 = arith.constant 5 : i32
      %scan3A_246 = arith.addi %scan3A_6, %scan3A_245 : i32
      %mul3A_247 = arith.constant 256 : i32
      %mul3A_248 = arith.muli %scan3A_246, %mul3A_247 : i32
      %get3A_249 = arith.index_cast %mul3A_248 : i32 to index
      %get3A_250 = arith.constant 0 : index
      %get3A_251 = vector.load %arg1[%get3A_249, %get3A_250] : memref<8192x255xf32, #tpu.memory_space<vmem>>, vector<256x255xf32>
      %transpose3A_252 = tpu.transpose %get3A_251, [1, 0] : vector<256x255xf32> -> vector<255x256xf32>
      %mul3A_253 = arith.constant 1.44269502 : f32
      %mul3A_254 = vector.broadcast %mul3A_253 : f32 to vector<255x256xf32>
      %mul3A_255 = arith.mulf %transpose3A_252, %mul3A_254 : vector<255x256xf32>
      %exp23A_256 = math.exp2 %mul3A_255 : vector<255x256xf32>
      %reduce_sum3A_257 = arith.constant dense<0.000000e+00> : vector<256xf32>
      %reduce_sum3A_258 = vector.multi_reduction <add>, %exp23A_256, %reduce_sum3A_257 [0] : vector<255x256xf32> to vector<256xf32>
      %broadcast_in_dim3A_259 = vector.shape_cast %reduce_sum3A_258 : vector<256xf32> to vector<1x256xf32>
      %mul3A_260 = vector.broadcast %get3A_1 : vector<255x1xf32> to vector<255x256xf32>
      %mul3A_261 = arith.mulf %exp23A_256, %mul3A_260 : vector<255x256xf32>
      %reduce_sum3A_262 = arith.constant dense<0.000000e+00> : vector<256xf32>
      %reduce_sum3A_263 = vector.multi_reduction <add>, %mul3A_261, %reduce_sum3A_262 [0] : vector<255x256xf32> to vector<256xf32>
      %broadcast_in_dim3A_264 = vector.shape_cast %reduce_sum3A_263 : vector<256xf32> to vector<1x256xf32>
      %div3A_265 = arith.divf %broadcast_in_dim3A_264, %broadcast_in_dim3A_259 : vector<1x256xf32>
      %sign3A_266 = tpu.bitcast %div3A_265 : vector<1x256xf32> -> vector<1x256xi32>
      %sign3A_267 = arith.constant -2147483648 : i32
      %sign3A_268 = vector.broadcast %sign3A_267 : i32 to vector<1x256xi32>
      %sign3A_269 = arith.andi %sign3A_266, %sign3A_268 : vector<1x256xi32>
      %sign3A_270 = arith.constant 1065353216 : i32
      %sign3A_271 = vector.broadcast %sign3A_270 : i32 to vector<1x256xi32>
      %sign3A_272 = arith.ori %sign3A_271, %sign3A_269 : vector<1x256xi32>
      %sign3A_273 = tpu.bitcast %sign3A_272 : vector<1x256xi32> -> vector<1x256xf32>
      %sign3A_274 = math.absf %div3A_265 : vector<1x256xf32>
      %sign3A_275 = arith.constant 0.000000e+00 : f32
      %sign3A_276 = vector.broadcast %sign3A_275 : f32 to vector<1x256xf32>
      %sign3A_277 = arith.cmpf ogt, %sign3A_274, %sign3A_276 : vector<1x256xf32>
      %sign3A_278 = arith.select %sign3A_277, %sign3A_273, %div3A_265 : vector<1x256xi1>, vector<1x256xf32>
      %abs3A_279 = math.absf %div3A_265 : vector<1x256xf32>
      %mul3A_280 = arith.constant 1.44269502 : f32
      %mul3A_281 = vector.broadcast %mul3A_280 : f32 to vector<1x256xf32>
      %mul3A_282 = arith.mulf %abs3A_279, %mul3A_281 : vector<1x256xf32>
      %exp23A_283 = math.exp2 %mul3A_282 : vector<1x256xf32>
      %sub3A_284 = arith.constant 1.000000e+00 : f32
      %sub3A_285 = vector.broadcast %sub3A_284 : f32 to vector<1x256xf32>
      %sub3A_286 = arith.subf %exp23A_283, %sub3A_285 : vector<1x256xf32>
      %mul3A_287 = arith.mulf %sign3A_278, %sub3A_286 : vector<1x256xf32>
      %broadcast_in_dim3A_288 = vector.shape_cast %mul3A_287 : vector<1x256xf32> to vector<1x1x256xf32>
      %mul3A_289 = arith.constant 256 : i32
      %mul3A_290 = arith.muli %scan3A_246, %mul3A_289 : i32
      %swap3A_291 = arith.constant 0 : index
      %swap3A_292 = arith.constant 0 : index
      %swap3A_293 = arith.index_cast %mul3A_290 : i32 to index
      %swap3A_294 = vector.load %arg3[%swap3A_291, %swap3A_292, %swap3A_293] : memref<1x1x8192xf32, #tpu.memory_space<vmem>>, vector<1x1x256xf32>
      tpu.vector_store %arg3[%swap3A_291, %swap3A_292, %swap3A_293], %broadcast_in_dim3A_288 {strides = array<i32>} : memref<1x1x8192xf32, #tpu.memory_space<vmem>>, vector<1x1x256xf32>,
      %scan3A_295 = arith.constant 6 : i32
      %scan3A_296 = arith.addi %scan3A_6, %scan3A_295 : i32
      %mul3A_297 = arith.constant 256 : i32
      %mul3A_298 = arith.muli %scan3A_296, %mul3A_297 : i32
      %get3A_299 = arith.index_cast %mul3A_298 : i32 to index
      %get3A_300 = arith.constant 0 : index
      %get3A_301 = vector.load %arg1[%get3A_299, %get3A_300] : memref<8192x255xf32, #tpu.memory_space<vmem>>, vector<256x255xf32>
      %transpose3A_302 = tpu.transpose %get3A_301, [1, 0] : vector<256x255xf32> -> vector<255x256xf32>
      %mul3A_303 = arith.constant 1.44269502 : f32
      %mul3A_304 = vector.broadcast %mul3A_303 : f32 to vector<255x256xf32>
      %mul3A_305 = arith.mulf %transpose3A_302, %mul3A_304 : vector<255x256xf32>
      %exp23A_306 = math.exp2 %mul3A_305 : vector<255x256xf32>
      %reduce_sum3A_307 = arith.constant dense<0.000000e+00> : vector<256xf32>
      %reduce_sum3A_308 = vector.multi_reduction <add>, %exp23A_306, %reduce_sum3A_307 [0] : vector<255x256xf32> to vector<256xf32>
      %broadcast_in_dim3A_309 = vector.shape_cast %reduce_sum3A_308 : vector<256xf32> to vector<1x256xf32>
      %mul3A_310 = vector.broadcast %get3A_1 : vector<255x1xf32> to vector<255x256xf32>
      %mul3A_311 = arith.mulf %exp23A_306, %mul3A_310 : vector<255x256xf32>
      %reduce_sum3A_312 = arith.constant dense<0.000000e+00> : vector<256xf32>
      %reduce_sum3A_313 = vector.multi_reduction <add>, %mul3A_311, %reduce_sum3A_312 [0] : vector<255x256xf32> to vector<256xf32>
      %broadcast_in_dim3A_314 = vector.shape_cast %reduce_sum3A_313 : vector<256xf32> to vector<1x256xf32>
      %div3A_315 = arith.divf %broadcast_in_dim3A_314, %broadcast_in_dim3A_309 : vector<1x256xf32>
      %sign3A_316 = tpu.bitcast %div3A_315 : vector<1x256xf32> -> vector<1x256xi32>
      %sign3A_317 = arith.constant -2147483648 : i32
      %sign3A_318 = vector.broadcast %sign3A_317 : i32 to vector<1x256xi32>
      %sign3A_319 = arith.andi %sign3A_316, %sign3A_318 : vector<1x256xi32>
      %sign3A_320 = arith.constant 1065353216 : i32
      %sign3A_321 = vector.broadcast %sign3A_320 : i32 to vector<1x256xi32>
      %sign3A_322 = arith.ori %sign3A_321, %sign3A_319 : vector<1x256xi32>
      %sign3A_323 = tpu.bitcast %sign3A_322 : vector<1x256xi32> -> vector<1x256xf32>
      %sign3A_324 = math.absf %div3A_315 : vector<1x256xf32>
      %sign3A_325 = arith.constant 0.000000e+00 : f32
      %sign3A_326 = vector.broadcast %sign3A_325 : f32 to vector<1x256xf32>
      %sign3A_327 = arith.cmpf ogt, %sign3A_324, %sign3A_326 : vector<1x256xf32>
      %sign3A_328 = arith.select %sign3A_327, %sign3A_323, %div3A_315 : vector<1x256xi1>, vector<1x256xf32>
      %abs3A_329 = math.absf %div3A_315 : vector<1x256xf32>
      %mul3A_330 = arith.constant 1.44269502 : f32
      %mul3A_331 = vector.broadcast %mul3A_330 : f32 to vector<1x256xf32>
      %mul3A_332 = arith.mulf %abs3A_329, %mul3A_331 : vector<1x256xf32>
      %exp23A_333 = math.exp2 %mul3A_332 : vector<1x256xf32>
      %sub3A_334 = arith.constant 1.000000e+00 : f32
      %sub3A_335 = vector.broadcast %sub3A_334 : f32 to vector<1x256xf32>
      %sub3A_336 = arith.subf %exp23A_333, %sub3A_335 : vector<1x256xf32>
      %mul3A_337 = arith.mulf %sign3A_328, %sub3A_336 : vector<1x256xf32>
      %broadcast_in_dim3A_338 = vector.shape_cast %mul3A_337 : vector<1x256xf32> to vector<1x1x256xf32>
      %mul3A_339 = arith.constant 256 : i32
      %mul3A_340 = arith.muli %scan3A_296, %mul3A_339 : i32
      %swap3A_341 = arith.constant 0 : index
      %swap3A_342 = arith.constant 0 : index
      %swap3A_343 = arith.index_cast %mul3A_340 : i32 to index
      %swap3A_344 = vector.load %arg3[%swap3A_341, %swap3A_342, %swap3A_343] : memref<1x1x8192xf32, #tpu.memory_space<vmem>>, vector<1x1x256xf32>
      tpu.vector_store %arg3[%swap3A_341, %swap3A_342, %swap3A_343], %broadcast_in_dim3A_338 {strides = array<i32>} : memref<1x1x8192xf32, #tpu.memory_space<vmem>>, vector<1x1x256xf32>,
      %scan3A_345 = arith.constant 7 : i32
      %scan3A_346 = arith.addi %scan3A_6, %scan3A_345 : i32
      %mul3A_347 = arith.constant 256 : i32
      %mul3A_348 = arith.muli %scan3A_346, %mul3A_347 : i32
      %get3A_349 = arith.index_cast %mul3A_348 : i32 to index
      %get3A_350 = arith.constant 0 : index
      %get3A_351 = vector.load %arg1[%get3A_349, %get3A_350] : memref<8192x255xf32, #tpu.memory_space<vmem>>, vector<256x255xf32>
      %transpose3A_352 = tpu.transpose %get3A_351, [1, 0] : vector<256x255xf32> -> vector<255x256xf32>
      %mul3A_353 = arith.constant 1.44269502 : f32
      %mul3A_354 = vector.broadcast %mul3A_353 : f32 to vector<255x256xf32>
      %mul3A_355 = arith.mulf %transpose3A_352, %mul3A_354 : vector<255x256xf32>
      %exp23A_356 = math.exp2 %mul3A_355 : vector<255x256xf32>
      %reduce_sum3A_357 = arith.constant dense<0.000000e+00> : vector<256xf32>
      %reduce_sum3A_358 = vector.multi_reduction <add>, %exp23A_356, %reduce_sum3A_357 [0] : vector<255x256xf32> to vector<256xf32>
      %broadcast_in_dim3A_359 = vector.shape_cast %reduce_sum3A_358 : vector<256xf32> to vector<1x256xf32>
      %mul3A_360 = vector.broadcast %get3A_1 : vector<255x1xf32> to vector<255x256xf32>
      %mul3A_361 = arith.mulf %exp23A_356, %mul3A_360 : vector<255x256xf32>
      %reduce_sum3A_362 = arith.constant dense<0.000000e+00> : vector<256xf32>
      %reduce_sum3A_363 = vector.multi_reduction <add>, %mul3A_361, %reduce_sum3A_362 [0] : vector<255x256xf32> to vector<256xf32>
      %broadcast_in_dim3A_364 = vector.shape_cast %reduce_sum3A_363 : vector<256xf32> to vector<1x256xf32>
      %div3A_365 = arith.divf %broadcast_in_dim3A_364, %broadcast_in_dim3A_359 : vector<1x256xf32>
      %sign3A_366 = tpu.bitcast %div3A_365 : vector<1x256xf32> -> vector<1x256xi32>
      %sign3A_367 = arith.constant -2147483648 : i32
      %sign3A_368 = vector.broadcast %sign3A_367 : i32 to vector<1x256xi32>
      %sign3A_369 = arith.andi %sign3A_366, %sign3A_368 : vector<1x256xi32>
      %sign3A_370 = arith.constant 1065353216 : i32
      %sign3A_371 = vector.broadcast %sign3A_370 : i32 to vector<1x256xi32>
      %sign3A_372 = arith.ori %sign3A_371, %sign3A_369 : vector<1x256xi32>
      %sign3A_373 = tpu.bitcast %sign3A_372 : vector<1x256xi32> -> vector<1x256xf32>
      %sign3A_374 = math.absf %div3A_365 : vector<1x256xf32>
      %sign3A_375 = arith.constant 0.000000e+00 : f32
      %sign3A_376 = vector.broadcast %sign3A_375 : f32 to vector<1x256xf32>
      %sign3A_377 = arith.cmpf ogt, %sign3A_374, %sign3A_376 : vector<1x256xf32>
      %sign3A_378 = arith.select %sign3A_377, %sign3A_373, %div3A_365 : vector<1x256xi1>, vector<1x256xf32>
      %abs3A_379 = math.absf %div3A_365 : vector<1x256xf32>
      %mul3A_380 = arith.constant 1.44269502 : f32
      %mul3A_381 = vector.broadcast %mul3A_380 : f32 to vector<1x256xf32>
      %mul3A_382 = arith.mulf %abs3A_379, %mul3A_381 : vector<1x256xf32>
      %exp23A_383 = math.exp2 %mul3A_382 : vector<1x256xf32>
      %sub3A_384 = arith.constant 1.000000e+00 : f32
      %sub3A_385 = vector.broadcast %sub3A_384 : f32 to vector<1x256xf32>
      %sub3A_386 = arith.subf %exp23A_383, %sub3A_385 : vector<1x256xf32>
      %mul3A_387 = arith.mulf %sign3A_378, %sub3A_386 : vector<1x256xf32>
      %broadcast_in_dim3A_388 = vector.shape_cast %mul3A_387 : vector<1x256xf32> to vector<1x1x256xf32>
      %mul3A_389 = arith.constant 256 : i32
      %mul3A_390 = arith.muli %scan3A_346, %mul3A_389 : i32
      %swap3A_391 = arith.constant 0 : index
      %swap3A_392 = arith.constant 0 : index
      %swap3A_393 = arith.index_cast %mul3A_390 : i32 to index
      %swap3A_394 = vector.load %arg3[%swap3A_391, %swap3A_392, %swap3A_393] : memref<1x1x8192xf32, #tpu.memory_space<vmem>>, vector<1x1x256xf32>
      tpu.vector_store %arg3[%swap3A_391, %swap3A_392, %swap3A_393], %broadcast_in_dim3A_388 {strides = array<i32>} : memref<1x1x8192xf32, #tpu.memory_space<vmem>>, vector<1x1x256xf32>,
      %scan3A_395 = arith.constant 8 : i32
      %scan3A_396 = arith.addi %scan3A_6, %scan3A_395 : i32
      %mul3A_397 = arith.constant 256 : i32
      %mul3A_398 = arith.muli %scan3A_396, %mul3A_397 : i32
      %get3A_399 = arith.index_cast %mul3A_398 : i32 to index
      %get3A_400 = arith.constant 0 : index
      %get3A_401 = vector.load %arg1[%get3A_399, %get3A_400] : memref<8192x255xf32, #tpu.memory_space<vmem>>, vector<256x255xf32>
      %transpose3A_402 = tpu.transpose %get3A_401, [1, 0] : vector<256x255xf32> -> vector<255x256xf32>
      %mul3A_403 = arith.constant 1.44269502 : f32
      %mul3A_404 = vector.broadcast %mul3A_403 : f32 to vector<255x256xf32>
      %mul3A_405 = arith.mulf %transpose3A_402, %mul3A_404 : vector<255x256xf32>
      %exp23A_406 = math.exp2 %mul3A_405 : vector<255x256xf32>
      %reduce_sum3A_407 = arith.constant dense<0.000000e+00> : vector<256xf32>
      %reduce_sum3A_408 = vector.multi_reduction <add>, %exp23A_406, %reduce_sum3A_407 [0] : vector<255x256xf32> to vector<256xf32>
      %broadcast_in_dim3A_409 = vector.shape_cast %reduce_sum3A_408 : vector<256xf32> to vector<1x256xf32>
      %mul3A_410 = vector.broadcast %get3A_1 : vector<255x1xf32> to vector<255x256xf32>
      %mul3A_411 = arith.mulf %exp23A_406, %mul3A_410 : vector<255x256xf32>
      %reduce_sum3A_412 = arith.constant dense<0.000000e+00> : vector<256xf32>
      %reduce_sum3A_413 = vector.multi_reduction <add>, %mul3A_411, %reduce_sum3A_412 [0] : vector<255x256xf32> to vector<256xf32>
      %broadcast_in_dim3A_414 = vector.shape_cast %reduce_sum3A_413 : vector<256xf32> to vector<1x256xf32>
      %div3A_415 = arith.divf %broadcast_in_dim3A_414, %broadcast_in_dim3A_409 : vector<1x256xf32>
      %sign3A_416 = tpu.bitcast %div3A_415 : vector<1x256xf32> -> vector<1x256xi32>
      %sign3A_417 = arith.constant -2147483648 : i32
      %sign3A_418 = vector.broadcast %sign3A_417 : i32 to vector<1x256xi32>
      %sign3A_419 = arith.andi %sign3A_416, %sign3A_418 : vector<1x256xi32>
      %sign3A_420 = arith.constant 1065353216 : i32
      %sign3A_421 = vector.broadcast %sign3A_420 : i32 to vector<1x256xi32>
      %sign3A_422 = arith.ori %sign3A_421, %sign3A_419 : vector<1x256xi32>
      %sign3A_423 = tpu.bitcast %sign3A_422 : vector<1x256xi32> -> vector<1x256xf32>
      %sign3A_424 = math.absf %div3A_415 : vector<1x256xf32>
      %sign3A_425 = arith.constant 0.000000e+00 : f32
      %sign3A_426 = vector.broadcast %sign3A_425 : f32 to vector<1x256xf32>
      %sign3A_427 = arith.cmpf ogt, %sign3A_424, %sign3A_426 : vector<1x256xf32>
      %sign3A_428 = arith.select %sign3A_427, %sign3A_423, %div3A_415 : vector<1x256xi1>, vector<1x256xf32>
      %abs3A_429 = math.absf %div3A_415 : vector<1x256xf32>
      %mul3A_430 = arith.constant 1.44269502 : f32
      %mul3A_431 = vector.broadcast %mul3A_430 : f32 to vector<1x256xf32>
      %mul3A_432 = arith.mulf %abs3A_429, %mul3A_431 : vector<1x256xf32>
      %exp23A_433 = math.exp2 %mul3A_432 : vector<1x256xf32>
      %sub3A_434 = arith.constant 1.000000e+00 : f32
      %sub3A_435 = vector.broadcast %sub3A_434 : f32 to vector<1x256xf32>
      %sub3A_436 = arith.subf %exp23A_433, %sub3A_435 : vector<1x256xf32>
      %mul3A_437 = arith.mulf %sign3A_428, %sub3A_436 : vector<1x256xf32>
      %broadcast_in_dim3A_438 = vector.shape_cast %mul3A_437 : vector<1x256xf32> to vector<1x1x256xf32>
      %mul3A_439 = arith.constant 256 : i32
      %mul3A_440 = arith.muli %scan3A_396, %mul3A_439 : i32
      %swap3A_441 = arith.constant 0 : index
      %swap3A_442 = arith.constant 0 : index
      %swap3A_443 = arith.index_cast %mul3A_440 : i32 to index
      %swap3A_444 = vector.load %arg3[%swap3A_441, %swap3A_442, %swap3A_443] : memref<1x1x8192xf32, #tpu.memory_space<vmem>>, vector<1x1x256xf32>
      tpu.vector_store %arg3[%swap3A_441, %swap3A_442, %swap3A_443], %broadcast_in_dim3A_438 {strides = array<i32>} : memref<1x1x8192xf32, #tpu.memory_space<vmem>>, vector<1x1x256xf32>,
      %scan3A_445 = arith.constant 9 : i32
      %scan3A_446 = arith.addi %scan3A_6, %scan3A_445 : i32
      %mul3A_447 = arith.constant 256 : i32
      %mul3A_448 = arith.muli %scan3A_446, %mul3A_447 : i32
      %get3A_449 = arith.index_cast %mul3A_448 : i32 to index
      %get3A_450 = arith.constant 0 : index
      %get3A_451 = vector.load %arg1[%get3A_449, %get3A_450] : memref<8192x255xf32, #tpu.memory_space<vmem>>, vector<256x255xf32>
      %transpose3A_452 = tpu.transpose %get3A_451, [1, 0] : vector<256x255xf32> -> vector<255x256xf32>
      %mul3A_453 = arith.constant 1.44269502 : f32
      %mul3A_454 = vector.broadcast %mul3A_453 : f32 to vector<255x256xf32>
      %mul3A_455 = arith.mulf %transpose3A_452, %mul3A_454 : vector<255x256xf32>
      %exp23A_456 = math.exp2 %mul3A_455 : vector<255x256xf32>
      %reduce_sum3A_457 = arith.constant dense<0.000000e+00> : vector<256xf32>
      %reduce_sum3A_458 = vector.multi_reduction <add>, %exp23A_456, %reduce_sum3A_457 [0] : vector<255x256xf32> to vector<256xf32>
      %broadcast_in_dim3A_459 = vector.shape_cast %reduce_sum3A_458 : vector<256xf32> to vector<1x256xf32>
      %mul3A_460 = vector.broadcast %get3A_1 : vector<255x1xf32> to vector<255x256xf32>
      %mul3A_461 = arith.mulf %exp23A_456, %mul3A_460 : vector<255x256xf32>
      %reduce_sum3A_462 = arith.constant dense<0.000000e+00> : vector<256xf32>
      %reduce_sum3A_463 = vector.multi_reduction <add>, %mul3A_461, %reduce_sum3A_462 [0] : vector<255x256xf32> to vector<256xf32>
      %broadcast_in_dim3A_464 = vector.shape_cast %reduce_sum3A_463 : vector<256xf32> to vector<1x256xf32>
      %div3A_465 = arith.divf %broadcast_in_dim3A_464, %broadcast_in_dim3A_459 : vector<1x256xf32>
      %sign3A_466 = tpu.bitcast %div3A_465 : vector<1x256xf32> -> vector<1x256xi32>
      %sign3A_467 = arith.constant -2147483648 : i32
      %sign3A_468 = vector.broadcast %sign3A_467 : i32 to vector<1x256xi32>
      %sign3A_469 = arith.andi %sign3A_466, %sign3A_468 : vector<1x256xi32>
      %sign3A_470 = arith.constant 1065353216 : i32
      %sign3A_471 = vector.broadcast %sign3A_470 : i32 to vector<1x256xi32>
      %sign3A_472 = arith.ori %sign3A_471, %sign3A_469 : vector<1x256xi32>
      %sign3A_473 = tpu.bitcast %sign3A_472 : vector<1x256xi32> -> vector<1x256xf32>
      %sign3A_474 = math.absf %div3A_465 : vector<1x256xf32>
      %sign3A_475 = arith.constant 0.000000e+00 : f32
      %sign3A_476 = vector.broadcast %sign3A_475 : f32 to vector<1x256xf32>
      %sign3A_477 = arith.cmpf ogt, %sign3A_474, %sign3A_476 : vector<1x256xf32>
      %sign3A_478 = arith.select %sign3A_477, %sign3A_473, %div3A_465 : vector<1x256xi1>, vector<1x256xf32>
      %abs3A_479 = math.absf %div3A_465 : vector<1x256xf32>
      %mul3A_480 = arith.constant 1.44269502 : f32
      %mul3A_481 = vector.broadcast %mul3A_480 : f32 to vector<1x256xf32>
      %mul3A_482 = arith.mulf %abs3A_479, %mul3A_481 : vector<1x256xf32>
      %exp23A_483 = math.exp2 %mul3A_482 : vector<1x256xf32>
      %sub3A_484 = arith.constant 1.000000e+00 : f32
      %sub3A_485 = vector.broadcast %sub3A_484 : f32 to vector<1x256xf32>
      %sub3A_486 = arith.subf %exp23A_483, %sub3A_485 : vector<1x256xf32>
      %mul3A_487 = arith.mulf %sign3A_478, %sub3A_486 : vector<1x256xf32>
      %broadcast_in_dim3A_488 = vector.shape_cast %mul3A_487 : vector<1x256xf32> to vector<1x1x256xf32>
      %mul3A_489 = arith.constant 256 : i32
      %mul3A_490 = arith.muli %scan3A_446, %mul3A_489 : i32
      %swap3A_491 = arith.constant 0 : index
      %swap3A_492 = arith.constant 0 : index
      %swap3A_493 = arith.index_cast %mul3A_490 : i32 to index
      %swap3A_494 = vector.load %arg3[%swap3A_491, %swap3A_492, %swap3A_493] : memref<1x1x8192xf32, #tpu.memory_space<vmem>>, vector<1x1x256xf32>
      tpu.vector_store %arg3[%swap3A_491, %swap3A_492, %swap3A_493], %broadcast_in_dim3A_488 {strides = array<i32>} : memref<1x1x8192xf32, #tpu.memory_space<vmem>>, vector<1x1x256xf32>,
      %scan3A_495 = arith.constant 10 : i32
      %scan3A_496 = arith.addi %scan3A_6, %scan3A_495 : i32
      %mul3A_497 = arith.constant 256 : i32
      %mul3A_498 = arith.muli %scan3A_496, %mul3A_497 : i32
      %get3A_499 = arith.index_cast %mul3A_498 : i32 to index
      %get3A_500 = arith.constant 0 : index
      %get3A_501 = vector.load %arg1[%get3A_499, %get3A_500] : memref<8192x255xf32, #tpu.memory_space<vmem>>, vector<256x255xf32>
      %transpose3A_502 = tpu.transpose %get3A_501, [1, 0] : vector<256x255xf32> -> vector<255x256xf32>
      %mul3A_503 = arith.constant 1.44269502 : f32
      %mul3A_504 = vector.broadcast %mul3A_503 : f32 to vector<255x256xf32>
      %mul3A_505 = arith.mulf %transpose3A_502, %mul3A_504 : vector<255x256xf32>
      %exp23A_506 = math.exp2 %mul3A_505 : vector<255x256xf32>
      %reduce_sum3A_507 = arith.constant dense<0.000000e+00> : vector<256xf32>
      %reduce_sum3A_508 = vector.multi_reduction <add>, %exp23A_506, %reduce_sum3A_507 [0] : vector<255x256xf32> to vector<256xf32>
      %broadcast_in_dim3A_509 = vector.shape_cast %reduce_sum3A_508 : vector<256xf32> to vector<1x256xf32>
      %mul3A_510 = vector.broadcast %get3A_1 : vector<255x1xf32> to vector<255x256xf32>
      %mul3A_511 = arith.mulf %exp23A_506, %mul3A_510 : vector<255x256xf32>
      %reduce_sum3A_512 = arith.constant dense<0.000000e+00> : vector<256xf32>
      %reduce_sum3A_513 = vector.multi_reduction <add>, %mul3A_511, %reduce_sum3A_512 [0] : vector<255x256xf32> to vector<256xf32>
      %broadcast_in_dim3A_514 = vector.shape_cast %reduce_sum3A_513 : vector<256xf32> to vector<1x256xf32>
      %div3A_515 = arith.divf %broadcast_in_dim3A_514, %broadcast_in_dim3A_509 : vector<1x256xf32>
      %sign3A_516 = tpu.bitcast %div3A_515 : vector<1x256xf32> -> vector<1x256xi32>
      %sign3A_517 = arith.constant -2147483648 : i32
      %sign3A_518 = vector.broadcast %sign3A_517 : i32 to vector<1x256xi32>
      %sign3A_519 = arith.andi %sign3A_516, %sign3A_518 : vector<1x256xi32>
      %sign3A_520 = arith.constant 1065353216 : i32
      %sign3A_521 = vector.broadcast %sign3A_520 : i32 to vector<1x256xi32>
      %sign3A_522 = arith.ori %sign3A_521, %sign3A_519 : vector<1x256xi32>
      %sign3A_523 = tpu.bitcast %sign3A_522 : vector<1x256xi32> -> vector<1x256xf32>
      %sign3A_524 = math.absf %div3A_515 : vector<1x256xf32>
      %sign3A_525 = arith.constant 0.000000e+00 : f32
      %sign3A_526 = vector.broadcast %sign3A_525 : f32 to vector<1x256xf32>
      %sign3A_527 = arith.cmpf ogt, %sign3A_524, %sign3A_526 : vector<1x256xf32>
      %sign3A_528 = arith.select %sign3A_527, %sign3A_523, %div3A_515 : vector<1x256xi1>, vector<1x256xf32>
      %abs3A_529 = math.absf %div3A_515 : vector<1x256xf32>
      %mul3A_530 = arith.constant 1.44269502 : f32
      %mul3A_531 = vector.broadcast %mul3A_530 : f32 to vector<1x256xf32>
      %mul3A_532 = arith.mulf %abs3A_529, %mul3A_531 : vector<1x256xf32>
      %exp23A_533 = math.exp2 %mul3A_532 : vector<1x256xf32>
      %sub3A_534 = arith.constant 1.000000e+00 : f32
      %sub3A_535 = vector.broadcast %sub3A_534 : f32 to vector<1x256xf32>
      %sub3A_536 = arith.subf %exp23A_533, %sub3A_535 : vector<1x256xf32>
      %mul3A_537 = arith.mulf %sign3A_528, %sub3A_536 : vector<1x256xf32>
      %broadcast_in_dim3A_538 = vector.shape_cast %mul3A_537 : vector<1x256xf32> to vector<1x1x256xf32>
      %mul3A_539 = arith.constant 256 : i32
      %mul3A_540 = arith.muli %scan3A_496, %mul3A_539 : i32
      %swap3A_541 = arith.constant 0 : index
      %swap3A_542 = arith.constant 0 : index
      %swap3A_543 = arith.index_cast %mul3A_540 : i32 to index
      %swap3A_544 = vector.load %arg3[%swap3A_541, %swap3A_542, %swap3A_543] : memref<1x1x8192xf32, #tpu.memory_space<vmem>>, vector<1x1x256xf32>
      tpu.vector_store %arg3[%swap3A_541, %swap3A_542, %swap3A_543], %broadcast_in_dim3A_538 {strides = array<i32>} : memref<1x1x8192xf32, #tpu.memory_space<vmem>>, vector<1x1x256xf32>,
      %scan3A_545 = arith.constant 11 : i32
      %scan3A_546 = arith.addi %scan3A_6, %scan3A_545 : i32
      %mul3A_547 = arith.constant 256 : i32
      %mul3A_548 = arith.muli %scan3A_546, %mul3A_547 : i32
      %get3A_549 = arith.index_cast %mul3A_548 : i32 to index
      %get3A_550 = arith.constant 0 : index
      %get3A_551 = vector.load %arg1[%get3A_549, %get3A_550] : memref<8192x255xf32, #tpu.memory_space<vmem>>, vector<256x255xf32>
      %transpose3A_552 = tpu.transpose %get3A_551, [1, 0] : vector<256x255xf32> -> vector<255x256xf32>
      %mul3A_553 = arith.constant 1.44269502 : f32
      %mul3A_554 = vector.broadcast %mul3A_553 : f32 to vector<255x256xf32>
      %mul3A_555 = arith.mulf %transpose3A_552, %mul3A_554 : vector<255x256xf32>
      %exp23A_556 = math.exp2 %mul3A_555 : vector<255x256xf32>
      %reduce_sum3A_557 = arith.constant dense<0.000000e+00> : vector<256xf32>
      %reduce_sum3A_558 = vector.multi_reduction <add>, %exp23A_556, %reduce_sum3A_557 [0] : vector<255x256xf32> to vector<256xf32>
      %broadcast_in_dim3A_559 = vector.shape_cast %reduce_sum3A_558 : vector<256xf32> to vector<1x256xf32>
      %mul3A_560 = vector.broadcast %get3A_1 : vector<255x1xf32> to vector<255x256xf32>
      %mul3A_561 = arith.mulf %exp23A_556, %mul3A_560 : vector<255x256xf32>
      %reduce_sum3A_562 = arith.constant dense<0.000000e+00> : vector<256xf32>
      %reduce_sum3A_563 = vector.multi_reduction <add>, %mul3A_561, %reduce_sum3A_562 [0] : vector<255x256xf32> to vector<256xf32>
      %broadcast_in_dim3A_564 = vector.shape_cast %reduce_sum3A_563 : vector<256xf32> to vector<1x256xf32>
      %div3A_565 = arith.divf %broadcast_in_dim3A_564, %broadcast_in_dim3A_559 : vector<1x256xf32>
      %sign3A_566 = tpu.bitcast %div3A_565 : vector<1x256xf32> -> vector<1x256xi32>
      %sign3A_567 = arith.constant -2147483648 : i32
      %sign3A_568 = vector.broadcast %sign3A_567 : i32 to vector<1x256xi32>
      %sign3A_569 = arith.andi %sign3A_566, %sign3A_568 : vector<1x256xi32>
      %sign3A_570 = arith.constant 1065353216 : i32
      %sign3A_571 = vector.broadcast %sign3A_570 : i32 to vector<1x256xi32>
      %sign3A_572 = arith.ori %sign3A_571, %sign3A_569 : vector<1x256xi32>
      %sign3A_573 = tpu.bitcast %sign3A_572 : vector<1x256xi32> -> vector<1x256xf32>
      %sign3A_574 = math.absf %div3A_565 : vector<1x256xf32>
      %sign3A_575 = arith.constant 0.000000e+00 : f32
      %sign3A_576 = vector.broadcast %sign3A_575 : f32 to vector<1x256xf32>
      %sign3A_577 = arith.cmpf ogt, %sign3A_574, %sign3A_576 : vector<1x256xf32>
      %sign3A_578 = arith.select %sign3A_577, %sign3A_573, %div3A_565 : vector<1x256xi1>, vector<1x256xf32>
      %abs3A_579 = math.absf %div3A_565 : vector<1x256xf32>
      %mul3A_580 = arith.constant 1.44269502 : f32
      %mul3A_581 = vector.broadcast %mul3A_580 : f32 to vector<1x256xf32>
      %mul3A_582 = arith.mulf %abs3A_579, %mul3A_581 : vector<1x256xf32>
      %exp23A_583 = math.exp2 %mul3A_582 : vector<1x256xf32>
      %sub3A_584 = arith.constant 1.000000e+00 : f32
      %sub3A_585 = vector.broadcast %sub3A_584 : f32 to vector<1x256xf32>
      %sub3A_586 = arith.subf %exp23A_583, %sub3A_585 : vector<1x256xf32>
      %mul3A_587 = arith.mulf %sign3A_578, %sub3A_586 : vector<1x256xf32>
      %broadcast_in_dim3A_588 = vector.shape_cast %mul3A_587 : vector<1x256xf32> to vector<1x1x256xf32>
      %mul3A_589 = arith.constant 256 : i32
      %mul3A_590 = arith.muli %scan3A_546, %mul3A_589 : i32
      %swap3A_591 = arith.constant 0 : index
      %swap3A_592 = arith.constant 0 : index
      %swap3A_593 = arith.index_cast %mul3A_590 : i32 to index
      %swap3A_594 = vector.load %arg3[%swap3A_591, %swap3A_592, %swap3A_593] : memref<1x1x8192xf32, #tpu.memory_space<vmem>>, vector<1x1x256xf32>
      tpu.vector_store %arg3[%swap3A_591, %swap3A_592, %swap3A_593], %broadcast_in_dim3A_588 {strides = array<i32>} : memref<1x1x8192xf32, #tpu.memory_space<vmem>>, vector<1x1x256xf32>,
      %scan3A_595 = arith.constant 12 : i32
      %scan3A_596 = arith.addi %scan3A_6, %scan3A_595 : i32
      %mul3A_597 = arith.constant 256 : i32
      %mul3A_598 = arith.muli %scan3A_596, %mul3A_597 : i32
      %get3A_599 = arith.index_cast %mul3A_598 : i32 to index
      %get3A_600 = arith.constant 0 : index
      %get3A_601 = vector.load %arg1[%get3A_599, %get3A_600] : memref<8192x255xf32, #tpu.memory_space<vmem>>, vector<256x255xf32>
      %transpose3A_602 = tpu.transpose %get3A_601, [1, 0] : vector<256x255xf32> -> vector<255x256xf32>
      %mul3A_603 = arith.constant 1.44269502 : f32
      %mul3A_604 = vector.broadcast %mul3A_603 : f32 to vector<255x256xf32>
      %mul3A_605 = arith.mulf %transpose3A_602, %mul3A_604 : vector<255x256xf32>
      %exp23A_606 = math.exp2 %mul3A_605 : vector<255x256xf32>
      %reduce_sum3A_607 = arith.constant dense<0.000000e+00> : vector<256xf32>
      %reduce_sum3A_608 = vector.multi_reduction <add>, %exp23A_606, %reduce_sum3A_607 [0] : vector<255x256xf32> to vector<256xf32>
      %broadcast_in_dim3A_609 = vector.shape_cast %reduce_sum3A_608 : vector<256xf32> to vector<1x256xf32>
      %mul3A_610 = vector.broadcast %get3A_1 : vector<255x1xf32> to vector<255x256xf32>
      %mul3A_611 = arith.mulf %exp23A_606, %mul3A_610 : vector<255x256xf32>
      %reduce_sum3A_612 = arith.constant dense<0.000000e+00> : vector<256xf32>
      %reduce_sum3A_613 = vector.multi_reduction <add>, %mul3A_611, %reduce_sum3A_612 [0] : vector<255x256xf32> to vector<256xf32>
      %broadcast_in_dim3A_614 = vector.shape_cast %reduce_sum3A_613 : vector<256xf32> to vector<1x256xf32>
      %div3A_615 = arith.divf %broadcast_in_dim3A_614, %broadcast_in_dim3A_609 : vector<1x256xf32>
      %sign3A_616 = tpu.bitcast %div3A_615 : vector<1x256xf32> -> vector<1x256xi32>
      %sign3A_617 = arith.constant -2147483648 : i32
      %sign3A_618 = vector.broadcast %sign3A_617 : i32 to vector<1x256xi32>
      %sign3A_619 = arith.andi %sign3A_616, %sign3A_618 : vector<1x256xi32>
      %sign3A_620 = arith.constant 1065353216 : i32
      %sign3A_621 = vector.broadcast %sign3A_620 : i32 to vector<1x256xi32>
      %sign3A_622 = arith.ori %sign3A_621, %sign3A_619 : vector<1x256xi32>
      %sign3A_623 = tpu.bitcast %sign3A_622 : vector<1x256xi32> -> vector<1x256xf32>
      %sign3A_624 = math.absf %div3A_615 : vector<1x256xf32>
      %sign3A_625 = arith.constant 0.000000e+00 : f32
      %sign3A_626 = vector.broadcast %sign3A_625 : f32 to vector<1x256xf32>
      %sign3A_627 = arith.cmpf ogt, %sign3A_624, %sign3A_626 : vector<1x256xf32>
      %sign3A_628 = arith.select %sign3A_627, %sign3A_623, %div3A_615 : vector<1x256xi1>, vector<1x256xf32>
      %abs3A_629 = math.absf %div3A_615 : vector<1x256xf32>
      %mul3A_630 = arith.constant 1.44269502 : f32
      %mul3A_631 = vector.broadcast %mul3A_630 : f32 to vector<1x256xf32>
      %mul3A_632 = arith.mulf %abs3A_629, %mul3A_631 : vector<1x256xf32>
      %exp23A_633 = math.exp2 %mul3A_632 : vector<1x256xf32>
      %sub3A_634 = arith.constant 1.000000e+00 : f32
      %sub3A_635 = vector.broadcast %sub3A_634 : f32 to vector<1x256xf32>
      %sub3A_636 = arith.subf %exp23A_633, %sub3A_635 : vector<1x256xf32>
      %mul3A_637 = arith.mulf %sign3A_628, %sub3A_636 : vector<1x256xf32>
      %broadcast_in_dim3A_638 = vector.shape_cast %mul3A_637 : vector<1x256xf32> to vector<1x1x256xf32>
      %mul3A_639 = arith.constant 256 : i32
      %mul3A_640 = arith.muli %scan3A_596, %mul3A_639 : i32
      %swap3A_641 = arith.constant 0 : index
      %swap3A_642 = arith.constant 0 : index
      %swap3A_643 = arith.index_cast %mul3A_640 : i32 to index
      %swap3A_644 = vector.load %arg3[%swap3A_641, %swap3A_642, %swap3A_643] : memref<1x1x8192xf32, #tpu.memory_space<vmem>>, vector<1x1x256xf32>
      tpu.vector_store %arg3[%swap3A_641, %swap3A_642, %swap3A_643], %broadcast_in_dim3A_638 {strides = array<i32>} : memref<1x1x8192xf32, #tpu.memory_space<vmem>>, vector<1x1x256xf32>,
      %scan3A_645 = arith.constant 13 : i32
      %scan3A_646 = arith.addi %scan3A_6, %scan3A_645 : i32
      %mul3A_647 = arith.constant 256 : i32
      %mul3A_648 = arith.muli %scan3A_646, %mul3A_647 : i32
      %get3A_649 = arith.index_cast %mul3A_648 : i32 to index
      %get3A_650 = arith.constant 0 : index
      %get3A_651 = vector.load %arg1[%get3A_649, %get3A_650] : memref<8192x255xf32, #tpu.memory_space<vmem>>, vector<256x255xf32>
      %transpose3A_652 = tpu.transpose %get3A_651, [1, 0] : vector<256x255xf32> -> vector<255x256xf32>
      %mul3A_653 = arith.constant 1.44269502 : f32
      %mul3A_654 = vector.broadcast %mul3A_653 : f32 to vector<255x256xf32>
      %mul3A_655 = arith.mulf %transpose3A_652, %mul3A_654 : vector<255x256xf32>
      %exp23A_656 = math.exp2 %mul3A_655 : vector<255x256xf32>
      %reduce_sum3A_657 = arith.constant dense<0.000000e+00> : vector<256xf32>
      %reduce_sum3A_658 = vector.multi_reduction <add>, %exp23A_656, %reduce_sum3A_657 [0] : vector<255x256xf32> to vector<256xf32>
      %broadcast_in_dim3A_659 = vector.shape_cast %reduce_sum3A_658 : vector<256xf32> to vector<1x256xf32>
      %mul3A_660 = vector.broadcast %get3A_1 : vector<255x1xf32> to vector<255x256xf32>
      %mul3A_661 = arith.mulf %exp23A_656, %mul3A_660 : vector<255x256xf32>
      %reduce_sum3A_662 = arith.constant dense<0.000000e+00> : vector<256xf32>
      %reduce_sum3A_663 = vector.multi_reduction <add>, %mul3A_661, %reduce_sum3A_662 [0] : vector<255x256xf32> to vector<256xf32>
      %broadcast_in_dim3A_664 = vector.shape_cast %reduce_sum3A_663 : vector<256xf32> to vector<1x256xf32>
      %div3A_665 = arith.divf %broadcast_in_dim3A_664, %broadcast_in_dim3A_659 : vector<1x256xf32>
      %sign3A_666 = tpu.bitcast %div3A_665 : vector<1x256xf32> -> vector<1x256xi32>
      %sign3A_667 = arith.constant -2147483648 : i32
      %sign3A_668 = vector.broadcast %sign3A_667 : i32 to vector<1x256xi32>
      %sign3A_669 = arith.andi %sign3A_666, %sign3A_668 : vector<1x256xi32>
      %sign3A_670 = arith.constant 1065353216 : i32
      %sign3A_671 = vector.broadcast %sign3A_670 : i32 to vector<1x256xi32>
      %sign3A_672 = arith.ori %sign3A_671, %sign3A_669 : vector<1x256xi32>
      %sign3A_673 = tpu.bitcast %sign3A_672 : vector<1x256xi32> -> vector<1x256xf32>
      %sign3A_674 = math.absf %div3A_665 : vector<1x256xf32>
      %sign3A_675 = arith.constant 0.000000e+00 : f32
      %sign3A_676 = vector.broadcast %sign3A_675 : f32 to vector<1x256xf32>
      %sign3A_677 = arith.cmpf ogt, %sign3A_674, %sign3A_676 : vector<1x256xf32>
      %sign3A_678 = arith.select %sign3A_677, %sign3A_673, %div3A_665 : vector<1x256xi1>, vector<1x256xf32>
      %abs3A_679 = math.absf %div3A_665 : vector<1x256xf32>
      %mul3A_680 = arith.constant 1.44269502 : f32
      %mul3A_681 = vector.broadcast %mul3A_680 : f32 to vector<1x256xf32>
      %mul3A_682 = arith.mulf %abs3A_679, %mul3A_681 : vector<1x256xf32>
      %exp23A_683 = math.exp2 %mul3A_682 : vector<1x256xf32>
      %sub3A_684 = arith.constant 1.000000e+00 : f32
      %sub3A_685 = vector.broadcast %sub3A_684 : f32 to vector<1x256xf32>
      %sub3A_686 = arith.subf %exp23A_683, %sub3A_685 : vector<1x256xf32>
      %mul3A_687 = arith.mulf %sign3A_678, %sub3A_686 : vector<1x256xf32>
      %broadcast_in_dim3A_688 = vector.shape_cast %mul3A_687 : vector<1x256xf32> to vector<1x1x256xf32>
      %mul3A_689 = arith.constant 256 : i32
      %mul3A_690 = arith.muli %scan3A_646, %mul3A_689 : i32
      %swap3A_691 = arith.constant 0 : index
      %swap3A_692 = arith.constant 0 : index
      %swap3A_693 = arith.index_cast %mul3A_690 : i32 to index
      %swap3A_694 = vector.load %arg3[%swap3A_691, %swap3A_692, %swap3A_693] : memref<1x1x8192xf32, #tpu.memory_space<vmem>>, vector<1x1x256xf32>
      tpu.vector_store %arg3[%swap3A_691, %swap3A_692, %swap3A_693], %broadcast_in_dim3A_688 {strides = array<i32>} : memref<1x1x8192xf32, #tpu.memory_space<vmem>>, vector<1x1x256xf32>,
      %scan3A_695 = arith.constant 14 : i32
      %scan3A_696 = arith.addi %scan3A_6, %scan3A_695 : i32
      %mul3A_697 = arith.constant 256 : i32
      %mul3A_698 = arith.muli %scan3A_696, %mul3A_697 : i32
      %get3A_699 = arith.index_cast %mul3A_698 : i32 to index
      %get3A_700 = arith.constant 0 : index
      %get3A_701 = vector.load %arg1[%get3A_699, %get3A_700] : memref<8192x255xf32, #tpu.memory_space<vmem>>, vector<256x255xf32>
      %transpose3A_702 = tpu.transpose %get3A_701, [1, 0] : vector<256x255xf32> -> vector<255x256xf32>
      %mul3A_703 = arith.constant 1.44269502 : f32
      %mul3A_704 = vector.broadcast %mul3A_703 : f32 to vector<255x256xf32>
      %mul3A_705 = arith.mulf %transpose3A_702, %mul3A_704 : vector<255x256xf32>
      %exp23A_706 = math.exp2 %mul3A_705 : vector<255x256xf32>
      %reduce_sum3A_707 = arith.constant dense<0.000000e+00> : vector<256xf32>
      %reduce_sum3A_708 = vector.multi_reduction <add>, %exp23A_706, %reduce_sum3A_707 [0] : vector<255x256xf32> to vector<256xf32>
      %broadcast_in_dim3A_709 = vector.shape_cast %reduce_sum3A_708 : vector<256xf32> to vector<1x256xf32>
      %mul3A_710 = vector.broadcast %get3A_1 : vector<255x1xf32> to vector<255x256xf32>
      %mul3A_711 = arith.mulf %exp23A_706, %mul3A_710 : vector<255x256xf32>
      %reduce_sum3A_712 = arith.constant dense<0.000000e+00> : vector<256xf32>
      %reduce_sum3A_713 = vector.multi_reduction <add>, %mul3A_711, %reduce_sum3A_712 [0] : vector<255x256xf32> to vector<256xf32>
      %broadcast_in_dim3A_714 = vector.shape_cast %reduce_sum3A_713 : vector<256xf32> to vector<1x256xf32>
      %div3A_715 = arith.divf %broadcast_in_dim3A_714, %broadcast_in_dim3A_709 : vector<1x256xf32>
      %sign3A_716 = tpu.bitcast %div3A_715 : vector<1x256xf32> -> vector<1x256xi32>
      %sign3A_717 = arith.constant -2147483648 : i32
      %sign3A_718 = vector.broadcast %sign3A_717 : i32 to vector<1x256xi32>
      %sign3A_719 = arith.andi %sign3A_716, %sign3A_718 : vector<1x256xi32>
      %sign3A_720 = arith.constant 1065353216 : i32
      %sign3A_721 = vector.broadcast %sign3A_720 : i32 to vector<1x256xi32>
      %sign3A_722 = arith.ori %sign3A_721, %sign3A_719 : vector<1x256xi32>
      %sign3A_723 = tpu.bitcast %sign3A_722 : vector<1x256xi32> -> vector<1x256xf32>
      %sign3A_724 = math.absf %div3A_715 : vector<1x256xf32>
      %sign3A_725 = arith.constant 0.000000e+00 : f32
      %sign3A_726 = vector.broadcast %sign3A_725 : f32 to vector<1x256xf32>
      %sign3A_727 = arith.cmpf ogt, %sign3A_724, %sign3A_726 : vector<1x256xf32>
      %sign3A_728 = arith.select %sign3A_727, %sign3A_723, %div3A_715 : vector<1x256xi1>, vector<1x256xf32>
      %abs3A_729 = math.absf %div3A_715 : vector<1x256xf32>
      %mul3A_730 = arith.constant 1.44269502 : f32
      %mul3A_731 = vector.broadcast %mul3A_730 : f32 to vector<1x256xf32>
      %mul3A_732 = arith.mulf %abs3A_729, %mul3A_731 : vector<1x256xf32>
      %exp23A_733 = math.exp2 %mul3A_732 : vector<1x256xf32>
      %sub3A_734 = arith.constant 1.000000e+00 : f32
      %sub3A_735 = vector.broadcast %sub3A_734 : f32 to vector<1x256xf32>
      %sub3A_736 = arith.subf %exp23A_733, %sub3A_735 : vector<1x256xf32>
      %mul3A_737 = arith.mulf %sign3A_728, %sub3A_736 : vector<1x256xf32>
      %broadcast_in_dim3A_738 = vector.shape_cast %mul3A_737 : vector<1x256xf32> to vector<1x1x256xf32>
      %mul3A_739 = arith.constant 256 : i32
      %mul3A_740 = arith.muli %scan3A_696, %mul3A_739 : i32
      %swap3A_741 = arith.constant 0 : index
      %swap3A_742 = arith.constant 0 : index
      %swap3A_743 = arith.index_cast %mul3A_740 : i32 to index
      %swap3A_744 = vector.load %arg3[%swap3A_741, %swap3A_742, %swap3A_743] : memref<1x1x8192xf32, #tpu.memory_space<vmem>>, vector<1x1x256xf32>
      tpu.vector_store %arg3[%swap3A_741, %swap3A_742, %swap3A_743], %broadcast_in_dim3A_738 {strides = array<i32>} : memref<1x1x8192xf32, #tpu.memory_space<vmem>>, vector<1x1x256xf32>,
      %scan3A_745 = arith.constant 15 : i32
      %scan3A_746 = arith.addi %scan3A_6, %scan3A_745 : i32
      %mul3A_747 = arith.constant 256 : i32
      %mul3A_748 = arith.muli %scan3A_746, %mul3A_747 : i32
      %get3A_749 = arith.index_cast %mul3A_748 : i32 to index
      %get3A_750 = arith.constant 0 : index
      %get3A_751 = vector.load %arg1[%get3A_749, %get3A_750] : memref<8192x255xf32, #tpu.memory_space<vmem>>, vector<256x255xf32>
      %transpose3A_752 = tpu.transpose %get3A_751, [1, 0] : vector<256x255xf32> -> vector<255x256xf32>
      %mul3A_753 = arith.constant 1.44269502 : f32
      %mul3A_754 = vector.broadcast %mul3A_753 : f32 to vector<255x256xf32>
      %mul3A_755 = arith.mulf %transpose3A_752, %mul3A_754 : vector<255x256xf32>
      %exp23A_756 = math.exp2 %mul3A_755 : vector<255x256xf32>
      %reduce_sum3A_757 = arith.constant dense<0.000000e+00> : vector<256xf32>
      %reduce_sum3A_758 = vector.multi_reduction <add>, %exp23A_756, %reduce_sum3A_757 [0] : vector<255x256xf32> to vector<256xf32>
      %broadcast_in_dim3A_759 = vector.shape_cast %reduce_sum3A_758 : vector<256xf32> to vector<1x256xf32>
      %mul3A_760 = vector.broadcast %get3A_1 : vector<255x1xf32> to vector<255x256xf32>
      %mul3A_761 = arith.mulf %exp23A_756, %mul3A_760 : vector<255x256xf32>
      %reduce_sum3A_762 = arith.constant dense<0.000000e+00> : vector<256xf32>
      %reduce_sum3A_763 = vector.multi_reduction <add>, %mul3A_761, %reduce_sum3A_762 [0] : vector<255x256xf32> to vector<256xf32>
      %broadcast_in_dim3A_764 = vector.shape_cast %reduce_sum3A_763 : vector<256xf32> to vector<1x256xf32>
      %div3A_765 = arith.divf %broadcast_in_dim3A_764, %broadcast_in_dim3A_759 : vector<1x256xf32>
      %sign3A_766 = tpu.bitcast %div3A_765 : vector<1x256xf32> -> vector<1x256xi32>
      %sign3A_767 = arith.constant -2147483648 : i32
      %sign3A_768 = vector.broadcast %sign3A_767 : i32 to vector<1x256xi32>
      %sign3A_769 = arith.andi %sign3A_766, %sign3A_768 : vector<1x256xi32>
      %sign3A_770 = arith.constant 1065353216 : i32
      %sign3A_771 = vector.broadcast %sign3A_770 : i32 to vector<1x256xi32>
      %sign3A_772 = arith.ori %sign3A_771, %sign3A_769 : vector<1x256xi32>
      %sign3A_773 = tpu.bitcast %sign3A_772 : vector<1x256xi32> -> vector<1x256xf32>
      %sign3A_774 = math.absf %div3A_765 : vector<1x256xf32>
      %sign3A_775 = arith.constant 0.000000e+00 : f32
      %sign3A_776 = vector.broadcast %sign3A_775 : f32 to vector<1x256xf32>
      %sign3A_777 = arith.cmpf ogt, %sign3A_774, %sign3A_776 : vector<1x256xf32>
      %sign3A_778 = arith.select %sign3A_777, %sign3A_773, %div3A_765 : vector<1x256xi1>, vector<1x256xf32>
      %abs3A_779 = math.absf %div3A_765 : vector<1x256xf32>
      %mul3A_780 = arith.constant 1.44269502 : f32
      %mul3A_781 = vector.broadcast %mul3A_780 : f32 to vector<1x256xf32>
      %mul3A_782 = arith.mulf %abs3A_779, %mul3A_781 : vector<1x256xf32>
      %exp23A_783 = math.exp2 %mul3A_782 : vector<1x256xf32>
      %sub3A_784 = arith.constant 1.000000e+00 : f32
      %sub3A_785 = vector.broadcast %sub3A_784 : f32 to vector<1x256xf32>
      %sub3A_786 = arith.subf %exp23A_783, %sub3A_785 : vector<1x256xf32>
      %mul3A_787 = arith.mulf %sign3A_778, %sub3A_786 : vector<1x256xf32>
      %broadcast_in_dim3A_788 = vector.shape_cast %mul3A_787 : vector<1x256xf32> to vector<1x1x256xf32>
      %mul3A_789 = arith.constant 256 : i32
      %mul3A_790 = arith.muli %scan3A_746, %mul3A_789 : i32
      %swap3A_791 = arith.constant 0 : index
      %swap3A_792 = arith.constant 0 : index
      %swap3A_793 = arith.index_cast %mul3A_790 : i32 to index
      %swap3A_794 = vector.load %arg3[%swap3A_791, %swap3A_792, %swap3A_793] : memref<1x1x8192xf32, #tpu.memory_space<vmem>>, vector<1x1x256xf32>
      tpu.vector_store %arg3[%swap3A_791, %swap3A_792, %swap3A_793], %broadcast_in_dim3A_788 {strides = array<i32>} : memref<1x1x8192xf32, #tpu.memory_space<vmem>>, vector<1x1x256xf32>,
    }
    %scan3A_5 = arith.constant 32 : i32
    return
  }
  func.func @transform_0(%arg0: i32) -> (i32, i32) {
    %c0_i32 = arith.constant 0 : i32
    %c0_i32_0 = arith.constant 0 : i32
    return %arg0, %c0_i32 : i32, i32
  }
  func.func @transform_1(%arg0: i32) -> (i32, i32) {
    %c0_i32 = arith.constant 0 : i32
    %c0_i32_0 = arith.constant 0 : i32
    %c0_i32_1 = arith.constant 0 : i32
    return %c0_i32, %c0_i32_0 : i32, i32
  }
  func.func @transform_2(%arg0: i32) -> (i32, i32, i32) {
    %c0_i32 = arith.constant 0 : i32
    %c0_i32_0 = arith.constant 0 : i32
    %c0_i32_1 = arith.constant 0 : i32
    return %arg0, %c0_i32, %c0_i32_0 : i32, i32, i32
  }
}

</mosaic_0001>

<sc_bundles>
// kernel: kernel.5.cloned.1.call-start
scs
__scs_entry_jumppad:
0x0: {  	(pc) =	sbr.rel $0x88, $3  }
0x1: {  	(tag) =	ssettag $0x0;
	lr =	simm.s32 $0x1  }
0x2: {  	[smem:$0x3F9F] =	sst lr;
	_ =	strace $0xD0000000  }
0x3: {  	_ = 	snop  }
0x4: {  	_ = 	snop  }
0x5: {  	_ = 	snop  }
0x6: {  	_ = 	snop  }
0x7: {  	_ = 	snop  }
__scs_overlays_trampoline_lowered:
0x8: {  	[smem:$0x3FAE] =	sst s0  }
0x9: {  	[smem:$0x3FAF] =	sst s1  }
0xa: {  	[smem:$0x3FB0] =	sst s2  }
0xb: {  	[smem:$0x3FB1] =	sst s3  }
0xc: {  	[smem:$0x3FB2] =	sst s4  }
0xd: {  	[smem:$0x3FB3] =	sst s5  }
0xe: {  	[smem:$0x3FB4] =	sst s6  }
0xf: {  	[smem:$0x3FB5] =	sst s7  }
0x10: {  	[smem:$0x3FB6] =	sst s8  }
0x11: {  	[smem:$0x3FB7] =	sst s9;
	s0 =	simm.s32 @!p0 $0x0  }
0x12: {  	s1 =	sld [smem:$0x3F9D];
	s0 =	simm.s32 @p0 $0x1  }
0x13: {  	[smem:$0x3FB8] =	sst s0;
	s0 =	simm.s32 @!p1 $0x0  }
0x14: {  	s2 =	sld [smem:$0x3F9C];
	s0 =	simm.s32 @p1 $0x1  }
0x15: {  	[smem:$0x3FB9] =	sst s0;
	s0 =	simm.s32 @!p2 $0x0  }
0x16: {  	s3 =	sld [smem:$0x3FDB];
	s0 =	simm.s32 @p2 $0x1  }
0x17: {  	s4 =	simm.s32 $0x1BF5;
	[smem:$0x3FBB] =	sst s0  }
0x18: {  	s0 =	sld [smem:$0x3F9E];
	_ =	swait.ge [sflag:s4], $0x0  }
0x19: {  	s7 =	sld [smem:$0x3F9F]  }
0x1a: {  	s8 =	sadd.s32 $0xFFFFE003, lr  }
0x1b: {  	s9 =	sadd.s32 $0xFFFFFEF7, lr;
	s5 =	simm.s32 $0xFFFFFFFF;
	p2 =	slt.u32 s8, $0xFFFFF086  }
0x1c: {  	p1 =	slt.u32 s9, $0xF7A;
	s5 =	simm.s32 @!p2 $0x0  }
0x1d: {  	s5 =	simm.s32 @p1 $0x1;
	p0 =	seq.s32 s7, s2  }
0x1e: {  	s7 =	smul.u32 @!p0 $0xF7A, s2;
	p2 =	seq.s32 @!p0 s5, $0x0  }
0x1f: {  	s9 =	smul.u32 $0xF7A, s1;
	s8 =	simm.s32 @!p0 $0x1BF5;
	p2 =	por !p2, p0  }
0x20: {  	[sflag:s8] =	ssyncset.s32 @!p0 $0xFFFFF086;
	s6 =	sadd.s32 @!p0 s3, s7;
	s7 =	simm.s32 @!p0 $0x108  }
0x21: {  	s3 =	sadd.s32 s3, s9;
	s6 =	sadd.s32 @!p0 $0x88, s6;
	s7 =	simm.s32 @p2 $0x1082  }
0x22: {  	[simem:s7], [sflag:s8] =	dma.local @!p0 [hbm:s6], $0xF7A  }
0x23: {  	s9 =	sor.u32 $0xD0000000, s2;
	s6 =	simm.s32 $0x108;
	_ =	swait.ge @!p0 [sflag:s8], $0x0  }
0x24: {  	s3 =	sadd.s32 $0x88, s3;
	s6 =	simm.s32 @!p1 $0x1082;
	[sflag:s4] =	ssyncset.s32 $0xFFFFF086  }
0x25: {  	[simem:s6], [sflag:s4] =	dma.local [hbm:s3], $0xF7A  }
0x26: {  	[smem:$0x3F9F] =	sst s1;
	(tag) =	ssettag s2;
	_ =	strace s9  }
0x27: {  	s1 =	sld [smem:$0x3FAF]  }
0x28: {  	s2 =	sld [smem:$0x3FB0]  }
0x29: {  	s4 =	sld [smem:$0x3FB2]  }
0x2a: {  	p0 =	seq.s32 s5, $0x0;
	s5 =	sld [smem:$0x3FB3]  }
0x2b: {  	s6 =	sld [smem:$0x3FB4]  }
0x2c: {  	s7 =	sld [smem:$0x3FB5]  }
0x2d: {  	s3 =	simm.s32 $0x108;
	s8 =	sld [smem:$0x3FB6]  }
0x2e: {  	s3 =	simm.s32 @!p0 $0x1082;
	s9 =	sld [smem:$0x3FB7]  }
0x2f: {  	lr =	sadd.s32 s0, s3;
	s0 =	sld [smem:$0x3FAE]  }
0x30: {  	s3 =	sld [smem:$0x3FB1]  }
0x31: {  	[smem:$0x3FBA] =	sst s10  }
0x32: {  	s10 =	sld [smem:$0x3FB8];
	_ =	sdelay $0x3  }
0x33: {  	p0 =	seq.s32 s10, $0x1;
	s10 =	sld [smem:$0x3FBA];
	_ =	sdelay $0x3  }
0x34: {  	[smem:$0x3FBA] =	sst s10  }
0x35: {  	s10 =	sld [smem:$0x3FB9];
	_ =	sdelay $0x3  }
0x36: {  	p1 =	seq.s32 s10, $0x1;
	s10 =	sld [smem:$0x3FBA];
	_ =	sdelay $0x3  }
0x37: {  	[smem:$0x3FBA] =	sst s10  }
0x38: {  	s10 =	sld [smem:$0x3FBB]  }
0x39: {  	_ = 	snop;
	(pc) =	sbr.ind lr, $3  }
0x3a: {  	_ = 	snop  }
0x3b: {  	_ = 	snop  }
0x3c: {  	p2 =	seq.s32 s10, $0x1;
	s10 =	sld [smem:$0x3FBA]  }
0x3d: {  	_ =	shalt  }
0x3e: {  	_ =	shalt  }
0x3f: {  	_ =	shalt  }
0x40: {  	_ =	shalt  }
0x41: {  	_ =	shalt  }
0x42: {  	_ =	shalt  }
0x43: {  	_ =	shalt  }
0x44: {  	_ =	shalt  }
0x45: {  	_ =	shalt  }
0x46: {  	_ =	shalt  }
0x47: {  	_ =	shalt  }
0x48: {  	_ =	shalt  }
0x49: {  	_ =	shalt  }
0x4a: {  	_ =	shalt  }
0x4b: {  	_ =	shalt  }
0x4c: {  	_ =	shalt  }
0x4d: {  	_ =	shalt  }
0x4e: {  	_ =	shalt  }
0x4f: {  	_ =	shalt  }
0x50: {  	_ =	shalt  }
0x51: {  	_ =	shalt  }
0x52: {  	_ =	shalt  }
0x53: {  	_ =	shalt  }
0x54: {  	_ =	shalt  }
0x55: {  	_ =	shalt  }
0x56: {  	_ =	shalt  }
0x57: {  	_ =	shalt  }
0x58: {  	_ =	shalt  }
0x59: {  	_ =	shalt  }
0x5a: {  	_ =	shalt  }
0x5b: {  	_ =	shalt  }
0x5c: {  	_ =	shalt  }
0x5d: {  	_ =	shalt  }
0x5e: {  	_ =	shalt  }
0x5f: {  	_ =	shalt  }
0x60: {  	_ =	shalt  }
0x61: {  	_ =	shalt  }
0x62: {  	_ =	shalt  }
0x63: {  	_ =	shalt  }
0x64: {  	_ =	shalt  }
0x65: {  	_ =	shalt  }
0x66: {  	_ =	shalt  }
0x67: {  	_ =	shalt  }
0x68: {  	_ =	shalt  }
0x69: {  	_ =	shalt  }
0x6a: {  	_ =	shalt  }
0x6b: {  	_ =	shalt  }
0x6c: {  	_ =	shalt  }
0x6d: {  	_ =	shalt  }
0x6e: {  	_ =	shalt  }
0x6f: {  	_ =	shalt  }
0x70: {  	_ =	shalt  }
0x71: {  	_ =	shalt  }
0x72: {  	_ =	shalt  }
0x73: {  	_ =	shalt  }
0x74: {  	_ =	shalt  }
0x75: {  	_ =	shalt  }
0x76: {  	_ =	shalt  }
0x77: {  	_ =	shalt  }
0x78: {  	_ =	shalt  }
0x79: {  	_ =	shalt  }
0x7a: {  	_ =	shalt  }
0x7b: {  	_ =	shalt  }
0x7c: {  	_ =	shalt  }
0x7d: {  	_ =	shalt  }
0x7e: {  	_ =	shalt  }
0x7f: {  	_ =	shalt  }
0x80: {  	_ =	shalt  }
0x81: {  	_ =	shalt  }
0x82: {  	_ =	shalt  }
0x83: {  	_ =	shalt  }
0x84: {  	_ =	shalt  }
0x85: {  	_ =	shalt  }
0x86: {  	_ =	shalt  }
0x87: {  	_ =	shalt  }
.Lfunc_end0:
.L_simem_size_0:
called_computation_lowered:
.L_overlay_start_0:
0x88: {  	s2 =	sld [smem:$0x3FD9]  }
0x89: {  	s3 =	sld [smem:$0x3FFE];
	_ =	sdelay $0x1  }
0x8a: {  	s1 =	srdreg.scid  }
0x8b: {  	s0 =	sand.u32 $0x1, s1  }
0x8c: {  	s17 =	sshll.u32 s0, $0xA;
	s2 =	sadd.s32 s3, s2  }
0x8d: {  	s2 =	sadd.s32 s2, s17  }
0x8e: {  	[smem:$0x3FC6] =	sst s2  }
0x8f: {  	_ = 	snop  }
0x90: {  	s2 =	sld [smem:$0x3FC9]  }
0x91: {  	s18 =	sld [smem:$0x3FD0];
	(tm) =	ssettm $0x1  }
0x92: {  	s4 =	sld [smem:$0x3FFB];
	_ =	sdelay $0x3  }
0x93: {  	_ =	strace s4  }
0x94: {  	s4 =	sld [smem:$0x3FFC];
	_ =	sdelay $0x3  }
0x95: {  	_ =	strace s4  }
0x96: {  	s4 =	sld [smem:$0x3FFD];
	_ =	sdelay $0x3  }
0x97: {  	_ =	strace s4  }
0x98: {  	_ =	strace $0x8FFFFFFF  }
0x99: {  	s19 =	sld [smem:$0x3FDB];
	_ =	sdelay $0x1  }
0x9a: {  	s5 =	simm.s32 $_scs_section_size  }
0x9b: {  	s6 =	simm.s32 $_size__tile_overlayer_lowered;
	s7 =	simm.s32 $_tile_overlayer_lowered  }
0x9c: {  	s22 =	simm.s32 $0x1BFF;
	s21 =	sshll.u32 s7, $0x1;
	s4 =	sadd.s32 s5, s19  }
0x9d: {  	s8 =	simm.s32 $0x0;
	s20 =	sshll.u32 s6, $0x1;
	s6 =	sadd.s32 s21, s4  }
0x9e: {  	[timem:s8], [sflag:s22] =	dma.local [hbm:s6], s20  }
0x9f: {  	_ =	swait.ge [sflag:s22], s20  }
0xa0: {  	s5 =	ssub.s32 $0x0, s20;
	[sflag:s22] =	ssyncset.done $0x0  }
0xa1: {  	[sflag:s22] =	ssyncadd.s32 s5;
	_ =	sdelay $0x1  }
0xa2: {  	s23 =	simm.s32 $0x1B8B  }
0xa3: {  	_ =	swait.ge [sflag:s23], $0x1  }
0xa4: {  	[sflag:s23] =	ssyncset.done $0x0  }
0xa5: {  	s25 =	simm.s32 $0x1B8E;
	s24 =	sld [smem:$0x3FFE];
	[sflag:s23] =	ssyncadd.s32 $0xFFFFFFFF  }
0xa6: {  	s26 =	simm.s32 $execute0_lowered;
	[smem:$0x3FD2] =	sst s25  }
0xa7: {  	s6 =	sshll.u32 s26, $0x1;
	_ =	strace $0x80000046;
	[dreg:$0x1] =	wrdreg $0xFFFFFFFF  }
0xa8: {  	s28 =	simm.s32 $_size_execute0_lowered;
	s4 =	sadd.s32 s4, s6;
	[dreg:$0x0] =	wrdreg $0x0  }
0xa9: {  	s6 =	sshll.u32 s28, $0x1;
	[dreg:$0x2] =	wrdreg s4  }
0xaa: {  	[dreg:$0x3] =	wrdreg s6  }
0xab: {  	[dreg:$0x4] =	wrdreg $0xC0  }
0xac: {  	_ =	task [dreg:s8], $0x5FFFF  }
0xad: {  	[dreg:$0x1] =	wrdreg $0xFFFFFFFF  }
0xae: {  	[dreg:$0x0] =	wrdreg $0x60  }
0xaf: {  	[dreg:$0x2] =	wrdreg s2  }
0xb0: {  	[dreg:$0x3] =	wrdreg s18  }
0xb1: {  	[dreg:$0x4] =	wrdreg s24  }
0xb2: {  	[dreg:$0x5] =	wrdreg $0x9  }
0xb3: {  	_ =	task.clear_ibuf [dreg:s8], $0x6FFFF;
	_ =	strace $0x90000046  }
0xb4: {  	s29 =	simm.s32 $0x9;
	_ =	strace $0x80000051  }
0xb5: {  	_ =	swait.ge [sflag:s29], $0x1  }
0xb6: {  	[sflag:s29] =	ssyncadd.s32 $0xFFFFFFFF  }
0xb7: {  	_ =	strace $0x90000051  }
0xb8: {  	_ =	sfence  }
0xb9: {  	s30 =	sld [smem:$0x0];
	_ =	sdelay $0x2  }
0xba: {  	s31 =	sshll.u32 s1, $0xD;
	s1 =	sshrl.u32 s1, $0x2  }
0xbb: {  	s3 =	sand.u32 $0x4000, s31;
	s1 =	sadd.s32 s1, s30  }
0xbc: {  	s0 =	sor.u32 s3, s0;
	s1 =	sshll.u32 s1, $0x11  }
0xbd: {  	s0 =	sor.u32 s1, s0  }
0xbe: {  	s0 =	sadd.s32 $0x8F2B, s0  }
0xbf: {  	[sflag:s0] =	ssyncadd.remote.s32 $0x1  }
0xc0: {  	_ =	sfence.sel $0xFFFF  }
0xc1: {  	[dreg:$0x0] =	wrdreg $0xFFFFFFFF;
	(pc) =	sbr.abs _section_cstart, $3  }
0xc2: {  	[dreg:$0x1] =	wrdreg $0xFFFFFFFF  }
0xc3: {  	_ =	task.clear_ibuf [dreg:s8], $0x2FFFF;
	_ =	strace $0x9FFFFFFF  }
0xc4: {  	(tm) =	ssettm $0x7FFFFFFF  }
0xc5: {  	_ =	shalt  }
tec
execute0_lowered:
.L_overlay_start_1:
0x0: {  	(tag) =	ssettag $0x1  }
0x1: {  	s0 =	rddreg [dreg:$0x0];
	v0 =	vimm.s32 $0xFEDCBA9;
	v1 =	vimm.s32 $0x87654321  }
0x2: {  	s2 =	rddreg [dreg:$0x2];
	v2 =	vimm.s32 $0xEDCBA987;
	v3 =	vimm.s32 $0x6543210F;
	v0 =	vunpack.c.l.s4.s8 v0  }
0x3: {  	s3 =	srdreg.scid;
	s1 =	stileid.u32;
	s4 =	simm.s32 $0x0;
	v1 =	vunpack.c.l.s4.s8 v1;
	v2 =	vunpack.c.l.s4.s8 v2;
	v3 =	vunpack.c.l.s4.s8 v3  }
0x4: {  	s10 =	simm.s32 $0x10000;
	s11 =	simm.s32 $0x7;
	s3 =	sand.u32 $0x1, s3;
	v0 =	vunpack.c.0.s8.s32 v0  }
0x5: {  	s12 =	simm.s32 $0x0;
	s6 =	sshll.u32 s1, $0x2;
	s5 =	sshll.u32 s3, $0x6;
	v1 =	vunpack.c.0.s8.s32 v1;
	v2 =	vunpack.c.0.s8.s32 v2;
	v3 =	vunpack.c.0.s8.s32 v3  }
0x6: {  	[smem:$0x7FF] =	sst s4;
	s3 =	ssub.s32 $0x2, s3;
	s5 =	sor.u32 s6, s5  }
0x7: {  	_ =	strace $0x80000047;
	s7 =	sshrl.u32 s3, $0x1;
	s8 =	sshll.u32 s5, $0xC;
	v0 =	vcombine.low v1, v0;
	v1 =	vcombine.low v3, v2  }
0x8: {  	s6 =	sadd.s32 $0xC00, s2;
	s3 =	ssub.s32 s3, s7;
	s8 =	sadd.s32 s8, s0  }
0x9: {  	vm0 =	vmmov $0x1;
	s7 =	sadd.s32 $0x8C00, s2;
	s9 =	smax.u32 s3, $0x1;
	s8 =	sadd.s32 $0x380000, s8;
	v0 =	vand.u32 $0xF, v0;
	v1 =	vand.u32 $0xF, v1  }
.LBB2_1:
0xa: {  	s1 =	rddreg [dreg:$0x1]  }
0xb: {  	[tilespmem:s10], [sflag:$0x7] =	stream.linear.gather [hbm4b:s1+s4], $0x180, $0x38;
	[tilespmem:$0x12180] =	vst v63  }
0xc: {  	_ =	swait.ge [sflag:s11], $0x180  }
0xd: {  	s14 =	simm.s32 $0x0;
	s13 =	simm.s32 $0x0;
	[sflag:s11] =	ssyncset.done $0x0  }
0xe: {  	s15 =	simm.s32 $0x0;
	s2 =	simm.s32 $0x0;
	[sflag:s11] =	ssyncadd.s32 $0xFFFFFE80  }
0xf: {  	s16 =	simm.s32 $0x0;
	s17 =	simm.s32 $0x0;
	_ =	strace $0x80000048  }
0x10: {  	[tilespmem:s4], [sflag:$0x1] =	stream.linear.gather [hbm4b:s8+s4], $0x8000, $0x200038;
	[tilespmem:$0x12180] =	vst v63  }
0x11: {  	s18 =	simm.s32 $0x1;
	s19 =	simm.s32 $0x0;
	_ =	strace $0x90000048  }
.LBB2_2:
0x12: {  	s20 =	smov.u32 s14;
	s14 =	sadd.s32 $0x1, s14  }
0x13: {  	p0 =	seq.s32 s14, $0x4  }
0x14: {  	s14 =	simm.s32 @p0 $0x0  }
0x15: {  	p1 =	sne.s32 s19, $0x3;
	p0 =	sne.s32 s20, s14  }
0x16: {  	p0 =	por !p1, !p0  }
0x17: {  	p0 =	por !p0, !p0  }
0x18: {  	s3 =	sadd.s32 @p0 s5, s14  }
0x19: {  	s3 =	sshll.u32 @p0 s3, $0xF  }
0x1a: {  	s21 =	sand.u32 @p0 $0x1, s18;
	s3 =	sadd.s32 @p0 $0x1C00000, s3  }
0x1b: {  	_ =	strace @p0 $0x80000049;
	s23 =	simm.s32 @p0 $0x0;
	s3 =	sshrl.u32 @p0 s3, $0x3  }
0x1c: {  	s22 =	sshll.u32 @p0 s21, $0xF;
	s21 =	sadd.s32 @p0 $0x1, s21;
	s3 =	sadd.s32 @p0 s0, s3  }
0x1d: {  	[tilespmem:s22], [sflag:s21] =	stream.linear.gather @p0 [hbm4b:s3+s23], $0x8000, $0x200038;
	[tilespmem:$0x12180] =	vst v63  }
0x1e: {  	s23 =	sand.u32 $0x1, s17;
	_ =	strace @p0 $0x90000049  }
0x1f: {  	s24 =	sadd.s32 $0x1, s23;
	_ =	strace $0x8000004A  }
0x20: {  	_ =	swait.ge [sflag:s24], $0x8000  }
0x21: {  	s25 =	simm.s32 $0x0;
	[sflag:s24] =	ssyncset.done $0x0  }
0x22: {  	s26 =	sand.u32 $0x7800, s25;
	s28 =	sshll.u32 s23, $0xF;
	[sflag:s24] =	ssyncadd.s32 $0xFFFF8000  }
0x23: {  	s1 =	sand.u32 $0x380, s25;
	s3 =	sadd.s32 s26, s28;
	_ =	strace $0x9000004A  }
0x24: {  	s3 =	sadd.s32 s1, s3;
	_ =	strace $0x8000004B  }
0x25: {  	v2 =	vld [tilespmem:s3+$0x0];
	_ =	sdelay $0x1  }
0x26: {  	v3 =	vld [tilespmem:s3+$0x10];
	_ =	sdelay $0x1  }
0x27: {  	v4 =	vld [tilespmem:s3+$0x20]  }
0x28: {  	v2 =	vmul.f32 $1.442695020e+00, v2  }
0x29: {  	v5 =	vld [tilespmem:s3+$0x30]  }
0x2a: {  	v6 =	vld [tilespmem:s3+$0x450];
	v3 =	vmul.f32 $1.442695020e+00, v3;
	(erf) = vpow2.f32 v2  }
0x2b: {  	v2 =	vld [tilespmem:s3+$0x40]  }
0x2c: {  	v8 =	vld [tilespmem:s3+$0x60];
	v4 =	vmul.f32 $1.442695020e+00, v4;
	(erf) = vpow2.f32 v3  }
0x2d: {  	v3 =	vld [tilespmem:s3+$0x50]  }
0x2e: {  	v9 =	vld [tilespmem:s3+$0x70];
	v5 =	vmul.f32 $1.442695020e+00, v5;
	(erf) = vpow2.f32 v4  }
0x2f: {  	v4 =	vld [tilespmem:$0x10000]  }
0x30: {  	v10 =	vld [tilespmem:s3+$0x400];
	(erf) = vpow2.f32 v5;
	v2 =	vmul.f32 $1.442695020e+00, v2  }
0x31: {  	v5 =	vld [tilespmem:$0x10010]  }
0x32: {  	v12 =	vld [tilespmem:s3+$0x410];
	v3 =	vmul.f32 $1.442695020e+00, v3;
	(erf) = vpow2.f32 v2  }
0x33: {  	v8 =	vmul.f32 $1.442695020e+00, v8;
	v2 =	vld [tilespmem:$0x10020];
	v11 =	vpop (erf)  }
0x34: {  	v29 =	vld [tilespmem:$0x10030];
	(erf) = vpow2.f32 v3;
	v4 =	vmul.f32 v11, v4  }
0x35: {  	v14 =	vld [tilespmem:s3+$0x420];
	v9 =	vmul.f32 $1.442695020e+00, v9;
	v3 =	vadd.f32 $0.0e+00, v11;
	v13 =	vpop (erf)  }
0x36: {  	v30 =	vld [tilespmem:$0x10040];
	(erf) = vpow2.f32 v8;
	v5 =	vmul.f32 v13, v5;
	v4 =	vadd.f32 $0.0e+00, v4  }
0x37: {  	v32 =	vld [tilespmem:$0x10050];
	v10 =	vmul.f32 $1.442695020e+00, v10;
	v31 =	vpop (erf);
	v3 =	vadd.f32 v13, v3  }
0x38: {  	v38 =	vld.msk [tilespmem:s3+$0x470], $0x7fff;
	(erf) = vpow2.f32 v9;
	v2 =	vmul.f32 v31, v2;
	v4 =	vadd.f32 v5, v4  }
0x39: {  	v12 =	vmul.f32 $1.442695020e+00, v12;
	v33 =	vpop (erf);
	v5 =	vld [tilespmem:s3+$0x430];
	v3 =	vadd.f32 v31, v3  }
0x3a: {  	v34 =	vld [tilespmem:s3+$0x440];
	(erf) = vpow2.f32 v10;
	v2 =	vadd.f32 v2, v4;
	v4 =	vmul.f32 v33, v29  }
0x3b: {  	v35 =	vld [tilespmem:$0x10060];
	v36 =	vmul.f32 $1.442695020e+00, v14;
	v6 =	vmul.f32 $1.442695020e+00, v6;
	v3 =	vadd.f32 v33, v3;
	v37 =	vpop (erf)  }
0x3c: {  	v39 =	vld [tilespmem:s3+$0x460];
	(erf) = vpow2.f32 v12;
	v2 =	vadd.f32 v4, v2;
	v4 =	vmul.f32 v37, v30  }
0x3d: {  	v7 =	vld [tilespmem:$0x10070];
	v43 =	vmul.f32 $1.442695020e+00, v38;
	v3 =	vadd.f32 v37, v3;
	v40 =	vpop (erf);
	(erf) = vpow2.f32 v36  }
0x3e: {  	v5 =	vmul.f32 $1.442695020e+00, v5;
	v2 =	vadd.f32 v4, v2;
	v4 =	vmul.f32 v40, v32  }
0x3f: {  	v41 =	vld [tilespmem:$0x10080];
	v11 =	vmul.f32 $1.442695020e+00, v34;
	v42 =	vpop (erf);
	(erf) = vpow2.f32 v6;
	v3 =	vadd.f32 v40, v3  }
0x40: {  	(erf) = vpow2.f32 v5;
	v2 =	vadd.f32 v4, v2;
	v4 =	vmul.f32 v42, v35  }
0x41: {  	v45 =	vmul.f32 $1.442695020e+00, v39;
	v44 =	vpop (erf);
	v5 =	vld [tilespmem:$0x10090];
	v3 =	vadd.f32 v42, v3;
	(erf) = vpow2.f32 v11  }
0x42: {  	(erf) = vpow2.f32 v43;
	v2 =	vadd.f32 v4, v2;
	v4 =	vmul.f32 v44, v7  }
0x43: {  	v46 =	vld [tilespmem:$0x100A0];
	v47 =	vpop (erf);
	v3 =	vadd.f32 v44, v3;
	(erf) = vpow2.f32 v45  }
0x44: {  	v48 =	vld [tilespmem:$0x100C0];
	v2 =	vadd.f32 v4, v2;
	v4 =	vmul.f32 v47, v41  }
0x45: {  	v49 =	vld [tilespmem:$0x100B0];
	v50 =	vpop (erf);
	v3 =	vadd.f32 v47, v3  }
0x46: {  	v51 =	vld [tilespmem:$0x10110];
	v2 =	vadd.f32 v4, v2;
	v4 =	vmul.f32 v50, v5  }
0x47: {  	v52 =	vpop (erf);
	v5 =	vld [tilespmem:$0x10100];
	v3 =	vadd.f32 v50, v3  }
0x48: {  	v53 =	vld [tilespmem:$0x100D0];
	v54 =	vpop (erf);
	v2 =	vadd.f32 v4, v2;
	v4 =	vmul.f32 v52, v46  }
0x49: {  	v3 =	vadd.f32 v52, v3;
	v55 =	vpop (erf)  }
0x4a: {  	v57 =	vld [tilespmem:$0x100E0];
	v56 =	vpop (erf);
	v2 =	vadd.f32 v4, v2;
	v4 =	vmul.f32 v55, v49  }
0x4b: {  	v58 =	vperm.xlane v51, v0;
	v3 =	vadd.f32 v55, v3;
	v59 =	vpop (erf)  }
0x4c: {  	v5 =	vperm.xlane v5, v0;
	v62 =	vpop (erf);
	v2 =	vadd.f32 v4, v2;
	v4 =	vmul.f32 v56, v48  }
0x4d: {  	v60 =	vmul.f32 v54, v53;
	v3 =	vadd.f32 v56, v3;
	v6 =	vmul.f32 v58, v62  }
0x4e: {  	v61 =	vmul.f32 v5, v59;
	v2 =	vadd.f32 v4, v2;
	v4 =	vmul.f32 v5, v62  }
0x4f: {  	v63 =	vmul.f32 v62, v57;
	v5 =	vmul.f32 v58, v59;
	v3 =	vadd.f32 v54, v3  }
0x50: {  	s31 =	simm.s32 $0x200;
	s23 =	sand.u32 $0x1, s16;
	v8 =	vperm.xlane v61, v1;
	v2 =	vadd.f32 v60, v2;
	v4 =	vperm.xlane v4, v1  }
0x51: {  	s25 =	sadd.s32 s5, s20;
	s22 =	sand.u32 $0x1, s15;
	s21 =	sshll.u32 s23, $0xB;
	v6 =	vperm.xlane v6, v1;
	v5 =	vperm.xlane v5, v1;
	v3 =	vadd.f32 v62, v3  }
0x52: {  	s26 =	sor.u32 $0x10180, s21;
	s1 =	simm.s32 $0x100;
	s24 =	sshll.u32 s22, $0xB;
	v7 =	vadd.f32 v63, v2;
	v2 =	vsel vm0, v4, v8  }
0x53: {  	s21 =	smov.u32 s2;
	s2 =	simm.s32 $0x80;
	s24 =	sor.u32 $0x11180, s24;
	v4 =	vsel vm0, v6, v5;
	v2 =	vadd.f32 v2, v3  }
0x54: {  	s30 =	smov.u32 s26;
	s29 =	smov.u32 s24;
	s3 =	sand.u32 $0x7800, s1;
	v3 =	vadd.f32 v4, v7  }
.LBB2_3:
0x55: {  	p1 =	sne.s32 s31, $0x7F00;
	s1 =	sand.u32 $0x380, s2;
	s3 =	sadd.s32 s3, s28;
	[tilespmem:s30+$0x0] =	vst v2  }
0x56: {  	s3 =	sadd.s32 s1, s3;
	[tilespmem:s29+$0x0] =	vst v3  }
0x57: {  	v2 =	vld [tilespmem:s3+$0x0];
	_ =	sdelay $0x1  }
0x58: {  	v3 =	vld [tilespmem:s3+$0x10];
	_ =	sdelay $0x1  }
0x59: {  	v4 =	vld [tilespmem:s3+$0x20]  }
0x5a: {  	v2 =	vmul.f32 $1.442695020e+00, v2  }
0x5b: {  	v5 =	vld [tilespmem:s3+$0x30]  }
0x5c: {  	v3 =	vmul.f32 $1.442695020e+00, v3;
	v6 =	vld [tilespmem:s3+$0x450];
	(erf) = vpow2.f32 v2  }
0x5d: {  	v2 =	vld [tilespmem:s3+$0x40]  }
0x5e: {  	v4 =	vmul.f32 $1.442695020e+00, v4;
	v7 =	vld [tilespmem:$0x10070];
	(erf) = vpow2.f32 v3  }
0x5f: {  	v3 =	vld [tilespmem:s3+$0x50]  }
0x60: {  	v5 =	vmul.f32 $1.442695020e+00, v5;
	v8 =	vld [tilespmem:s3+$0x60];
	(erf) = vpow2.f32 v4  }
0x61: {  	v4 =	vld [tilespmem:$0x10000]  }
0x62: {  	v2 =	vmul.f32 $1.442695020e+00, v2;
	v9 =	vld [tilespmem:s3+$0x70];
	(erf) = vpow2.f32 v5  }
0x63: {  	v5 =	vld [tilespmem:$0x10010]  }
0x64: {  	v3 =	vmul.f32 $1.442695020e+00, v3;
	v10 =	vld [tilespmem:s3+$0x400];
	(erf) = vpow2.f32 v2  }
0x65: {  	v2 =	vld [tilespmem:$0x10020];
	v8 =	vmul.f32 $1.442695020e+00, v8;
	v11 =	vpop (erf)  }
0x66: {  	v4 =	vmul.f32 v11, v4;
	v12 =	vld [tilespmem:s3+$0x410];
	(erf) = vpow2.f32 v3  }
0x67: {  	v3 =	vadd.f32 $0.0e+00, v11;
	v11 =	vld [tilespmem:$0x10030];
	v9 =	vmul.f32 $1.442695020e+00, v9;
	v13 =	vpop (erf)  }
0x68: {  	v4 =	vadd.f32 $0.0e+00, v4;
	v5 =	vmul.f32 v13, v5;
	v14 =	vld [tilespmem:s3+$0x420];
	(erf) = vpow2.f32 v8  }
0x69: {  	v3 =	vadd.f32 v13, v3;
	v8 =	vld [tilespmem:$0x10040];
	v10 =	vmul.f32 $1.442695020e+00, v10;
	v13 =	vpop (erf)  }
0x6a: {  	v4 =	vadd.f32 v5, v4;
	v2 =	vmul.f32 v13, v2;
	v5 =	vld [tilespmem:s3+$0x430];
	(erf) = vpow2.f32 v9  }
0x6b: {  	v3 =	vadd.f32 v13, v3;
	v9 =	vld [tilespmem:$0x10050];
	v12 =	vmul.f32 $1.442695020e+00, v12;
	v13 =	vpop (erf)  }
0x6c: {  	v2 =	vadd.f32 v2, v4;
	v4 =	vmul.f32 v13, v11;
	v11 =	vld [tilespmem:s3+$0x440];
	(erf) = vpow2.f32 v10  }
0x6d: {  	v3 =	vadd.f32 v13, v3;
	v10 =	vld [tilespmem:$0x10060];
	v13 =	vmul.f32 $1.442695020e+00, v14;
	v14 =	vpop (erf)  }
0x6e: {  	v2 =	vadd.f32 v4, v2;
	v4 =	vmul.f32 v14, v8;
	v8 =	vld.msk [tilespmem:s3+$0x470], $0x7fff;
	(erf) = vpow2.f32 v12  }
0x6f: {  	v6 =	vmul.f32 $1.442695020e+00, v6;
	v3 =	vadd.f32 v14, v3;
	v5 =	vmul.f32 $1.442695020e+00, v5;
	v12 =	vld [tilespmem:s3+$0x460];
	v14 =	vpop (erf)  }
0x70: {  	v2 =	vadd.f32 v4, v2;
	v4 =	vmul.f32 v14, v9;
	(erf) = vpow2.f32 v13  }
0x71: {  	v3 =	vadd.f32 v14, v3;
	v9 =	vld [tilespmem:$0x10080];
	v11 =	vmul.f32 $1.442695020e+00, v11;
	v13 =	vpop (erf);
	(erf) = vpow2.f32 v6  }
0x72: {  	v2 =	vadd.f32 v4, v2;
	v4 =	vmul.f32 v13, v10;
	(erf) = vpow2.f32 v5  }
0x73: {  	v3 =	vadd.f32 v13, v3;
	v5 =	vld [tilespmem:$0x10090];
	v6 =	vmul.f32 $1.442695020e+00, v8;
	v8 =	vpop (erf);
	(erf) = vpow2.f32 v11  }
0x74: {  	v2 =	vadd.f32 v4, v2;
	v4 =	vmul.f32 v8, v7;
	v7 =	vmul.f32 $1.442695020e+00, v12  }
0x75: {  	v3 =	vadd.f32 v8, v3;
	v8 =	vld [tilespmem:$0x100A0];
	v10 =	vpop (erf);
	(erf) = vpow2.f32 v6  }
0x76: {  	v2 =	vadd.f32 v4, v2;
	v4 =	vmul.f32 v10, v9;
	v6 =	vld [tilespmem:$0x100C0];
	(erf) = vpow2.f32 v7  }
0x77: {  	v3 =	vadd.f32 v10, v3;
	v7 =	vld [tilespmem:$0x100B0];
	v9 =	vpop (erf)  }
0x78: {  	v2 =	vadd.f32 v4, v2;
	v4 =	vmul.f32 v9, v5;
	v5 =	vld [tilespmem:$0x10100]  }
0x79: {  	v3 =	vadd.f32 v9, v3;
	v9 =	vld [tilespmem:$0x10110];
	v10 =	vpop (erf)  }
0x7a: {  	v2 =	vadd.f32 v4, v2;
	v4 =	vmul.f32 v10, v8;
	v8 =	vld [tilespmem:$0x100D0];
	v11 =	vpop (erf)  }
0x7b: {  	v3 =	vadd.f32 v10, v3;
	v10 =	vpop (erf)  }
0x7c: {  	v2 =	vadd.f32 v4, v2;
	v4 =	vmul.f32 v10, v7;
	v7 =	vpop (erf)  }
0x7d: {  	v3 =	vadd.f32 v10, v3;
	v10 =	vld [tilespmem:$0x100E0];
	v5 =	vperm.xlane v5, v0  }
0x7e: {  	v2 =	vadd.f32 v4, v2;
	v4 =	vmul.f32 v7, v6;
	v6 =	vperm.xlane v9, v0;
	v9 =	vpop (erf)  }
0x7f: {  	v3 =	vadd.f32 v7, v3;
	v7 =	vmul.f32 v11, v8;
	v8 =	vmul.f32 v5, v9;
	v12 =	vpop (erf)  }
0x80: {  	v2 =	vadd.f32 v4, v2;
	v4 =	vmul.f32 v5, v12;
	v5 =	vmul.f32 v6, v9  }
0x81: {  	v3 =	vadd.f32 v11, v3;
	v6 =	vmul.f32 v6, v12;
	v8 =	vperm.xlane v8, v1  }
.Ltmp0:
0x82: {  	v2 =	vadd.f32 v7, v2;
	v7 =	vmul.f32 v12, v10;
	v4 =	vperm.xlane v4, v1;
	(pc) =	sbr.rel @p1 .LBB2_3-.Ltmp0, $4  }
0x83: {  	v3 =	vadd.f32 v12, v3;
	v6 =	vperm.xlane v6, v1;
	v5 =	vperm.xlane v5, v1  }
0x84: {  	v7 =	vadd.f32 v7, v2;
	v2 =	vsel vm0, v4, v8  }
0x85: {  	s30 =	sadd.s32 $0x10, s30;
	s29 =	sadd.s32 $0x10, s29;
	v2 =	vadd.f32 v2, v3;
	v3 =	vsel vm0, v6, v5  }
0x86: {  	s2 =	sadd.s32 $0x80, s2;
	s3 =	sand.u32 $0x7800, s31;
	s31 =	sadd.s32 $0x100, s31;
	v3 =	vadd.f32 v3, v7  }
0x87: {  	s1 =	sand.u32 $0x380, s2;
	s28 =	sadd.s32 s3, s28;
	[tilespmem:s30+$0x0] =	vst v2  }
0x88: {  	s2 =	sadd.s32 s1, s28;
	[tilespmem:s29+$0x0] =	vst v3  }
0x89: {  	v2 =	vld [tilespmem:s2+$0x0];
	_ =	sdelay $0x1  }
0x8a: {  	v3 =	vld [tilespmem:s2+$0x10];
	_ =	sdelay $0x1  }
0x8b: {  	v4 =	vld [tilespmem:s2+$0x20]  }
0x8c: {  	v2 =	vmul.f32 $1.442695020e+00, v2  }
0x8d: {  	v5 =	vld [tilespmem:s2+$0x30]  }
0x8e: {  	v6 =	vld [tilespmem:s2+$0x450];
	v3 =	vmul.f32 $1.442695020e+00, v3;
	(erf) = vpow2.f32 v2  }
0x8f: {  	v2 =	vld [tilespmem:s2+$0x40]  }
0x90: {  	v8 =	vld [tilespmem:s2+$0x60];
	v4 =	vmul.f32 $1.442695020e+00, v4;
	(erf) = vpow2.f32 v3  }
0x91: {  	v3 =	vld [tilespmem:s2+$0x50]  }
0x92: {  	v59 =	vld [tilespmem:$0x10000];
	v5 =	vmul.f32 $1.442695020e+00, v5;
	(erf) = vpow2.f32 v4  }
0x93: {  	v9 =	vld [tilespmem:s2+$0x70]  }
0x94: {  	v60 =	vld [tilespmem:$0x10010];
	(erf) = vpow2.f32 v5;
	v2 =	vmul.f32 $1.442695020e+00, v2  }
0x95: {  	v10 =	vld [tilespmem:s2+$0x400]  }
0x96: {  	v12 =	vld [tilespmem:s2+$0x410];
	v3 =	vmul.f32 $1.442695020e+00, v3;
	(erf) = vpow2.f32 v2  }
0x97: {  	v8 =	vmul.f32 $1.442695020e+00, v8;
	v2 =	vld [tilespmem:$0x10020];
	v11 =	vpop (erf)  }
0x98: {  	v61 =	vld [tilespmem:$0x10030];
	(erf) = vpow2.f32 v3;
	v4 =	vmul.f32 v11, v59  }
0x99: {  	v14 =	vld [tilespmem:s2+$0x420];
	v9 =	vmul.f32 $1.442695020e+00, v9;
	v3 =	vadd.f32 $0.0e+00, v11;
	v13 =	vpop (erf)  }
0x9a: {  	v62 =	vld [tilespmem:$0x10040];
	(erf) = vpow2.f32 v8;
	v5 =	vmul.f32 v13, v60;
	v4 =	vadd.f32 $0.0e+00, v4  }
0x9b: {  	v16 =	vld [tilespmem:s2+$0x430];
	v10 =	vmul.f32 $1.442695020e+00, v10;
	v63 =	vpop (erf);
	v3 =	vadd.f32 v13, v3  }
0x9c: {  	v17 =	vld [tilespmem:$0x10050];
	(erf) = vpow2.f32 v9;
	v2 =	vmul.f32 v63, v2;
	v4 =	vadd.f32 v5, v4  }
0x9d: {  	v20 =	vld [tilespmem:s2+$0x440];
	v12 =	vmul.f32 $1.442695020e+00, v12;
	v18 =	vpop (erf);
	v3 =	vadd.f32 v63, v3  }
0x9e: {  	v21 =	vld [tilespmem:$0x10060];
	(erf) = vpow2.f32 v10;
	v19 =	vmul.f32 v18, v61;
	v2 =	vadd.f32 v2, v4  }
0x9f: {  	v25 =	vld.msk [tilespmem:s2+$0x470], $0x7fff;
	v22 =	vmul.f32 $1.442695020e+00, v14;
	v3 =	vadd.f32 v18, v3;
	v23 =	vpop (erf)  }
0xa0: {  	v26 =	vld [tilespmem:s2+$0x460];
	(erf) = vpow2.f32 v12;
	v24 =	vmul.f32 v23, v62;
	v2 =	vadd.f32 v19, v2  }
0xa1: {  	v7 =	vld [tilespmem:$0x10070];
	v6 =	vmul.f32 $1.442695020e+00, v6;
	v5 =	vmul.f32 $1.442695020e+00, v16;
	v3 =	vadd.f32 v23, v3;
	v27 =	vpop (erf)  }
0xa2: {  	(erf) = vpow2.f32 v22;
	v28 =	vmul.f32 v27, v17;
	v2 =	vadd.f32 v24, v2  }
0xa3: {  	v29 =	vld [tilespmem:$0x10080];
	v11 =	vmul.f32 $1.442695020e+00, v20;
	v30 =	vpop (erf);
	(erf) = vpow2.f32 v6;
	v3 =	vadd.f32 v27, v3  }
0xa4: {  	v31 =	vmul.f32 v30, v21;
	(erf) = vpow2.f32 v5;
	v2 =	vadd.f32 v28, v2  }
0xa5: {  	v32 =	vld [tilespmem:$0x10090];
	v33 =	vmul.f32 $1.442695020e+00, v25;
	v36 =	vmul.f32 $1.442695020e+00, v26;
	v34 =	vpop (erf);
	v3 =	vadd.f32 v30, v3  }
0xa6: {  	(erf) = vpow2.f32 v11;
	v35 =	vmul.f32 v34, v7;
	v2 =	vadd.f32 v31, v2  }
0xa7: {  	v37 =	vld [tilespmem:$0x100A0];
	v38 =	vpop (erf);
	(erf) = vpow2.f32 v33;
	v3 =	vadd.f32 v34, v3  }
0xa8: {  	v40 =	vld [tilespmem:$0x100C0];
	v39 =	vmul.f32 v38, v29;
	(erf) = vpow2.f32 v36;
	v2 =	vadd.f32 v35, v2  }
0xa9: {  	v41 =	vld [tilespmem:$0x100B0];
	v42 =	vpop (erf);
	v3 =	vadd.f32 v38, v3  }
0xaa: {  	v44 =	vld [tilespmem:$0x10100];
	v43 =	vmul.f32 v42, v32;
	v2 =	vadd.f32 v39, v2  }
0xab: {  	v45 =	vld [tilespmem:$0x10110];
	v46 =	vpop (erf);
	v3 =	vadd.f32 v42, v3  }
0xac: {  	v48 =	vld [tilespmem:$0x100D0];
	v47 =	vmul.f32 v46, v37;
	v49 =	vpop (erf);
	v2 =	vadd.f32 v43, v2  }
0xad: {  	v50 =	vpop (erf);
	v3 =	vadd.f32 v46, v3  }
0xae: {  	v53 =	vld [tilespmem:$0x100E0];
	v51 =	vmul.f32 v50, v41;
	v2 =	vadd.f32 v47, v2  }
0xaf: {  	v5 =	vperm.xlane v44, v0;
	v52 =	vpop (erf);
	v3 =	vadd.f32 v50, v3  }
0xb0: {  	v55 =	vperm.xlane v45, v0;
	v54 =	vmul.f32 v52, v40;
	v56 =	vpop (erf);
	v2 =	vadd.f32 v51, v2  }
0xb1: {  	v57 =	vmul.f32 v49, v48;
	v58 =	vmul.f32 v5, v56;
	v59 =	vpop (erf);
	v3 =	vadd.f32 v52, v3  }
0xb2: {  	v61 =	vmul.f32 v55, v56;
	v60 =	vmul.f32 v5, v59;
	v2 =	vadd.f32 v54, v2  }
0xb3: {  	v6 =	vmul.f32 v55, v59;
	v62 =	vmul.f32 v59, v53;
	v3 =	vadd.f32 v49, v3  }
0xb4: {  	v8 =	vperm.xlane v58, v1;
	v4 =	vperm.xlane v60, v1;
	v2 =	vadd.f32 v57, v2  }
0xb5: {  	v5 =	vperm.xlane v61, v1;
	v6 =	vperm.xlane v6, v1;
	v3 =	vadd.f32 v59, v3  }
0xb6: {  	v4 =	vsel vm0, v4, v8;
	v2 =	vadd.f32 v62, v2  }
0xb7: {  	p1 =	seq.s32 s19, $0x3;
	v63 =	vsel vm0, v6, v5;
	v3 =	vadd.f32 v4, v3  }
0xb8: {  	s30 =	sadd.s32 $0x10, s30;
	p2 =	seq.s32 @!p1 s20, s14;
	v2 =	vadd.f32 v63, v2  }
0xb9: {  	s31 =	sadd.s32 $0x10, s29;
	p1 =	por p1, !p2;
	[tilespmem:s30+$0x0] =	vst v3  }
0xba: {  	s1 =	sshll.u32 @p1 s25, $0x8;
	[tilespmem:s31+$0x0] =	vst v2  }
0xbb: {  	s3 =	simm.s32 $0x0;
	s1 =	sand.u32 @p1 $0x1FFFFF00, s1;
	_ =	strace $0x9000004B  }
0xbc: {  	s3 =	sadd.s32 @p1 s6, s1;
	s2 =	sadd.s32 @p1 $0x3, s23;
	_ =	strace @p1 $0x8000004C  }
0xbd: {  	[hbm4b:s3+s4] =	stream.linear.scatter @p1 [tilespmem:s26], [sflag:s2], $0x800, $0x200038;
	[tilespmem:$0x12180] =	vst v63  }
0xbe: {  	s16 =	sadd.s32 @p1 $0x1, s16;
	_ =	strace @p1 $0x9000004C  }
0xbf: {  	s1 =	sadd.s32 @p1 s7, s1;
	s2 =	sadd.s32 @p1 $0x5, s22;
	_ =	strace @p1 $0x8000004D  }
0xc0: {  	[hbm4b:s1+s4] =	stream.linear.scatter @p1 [tilespmem:s24], [sflag:s2], $0x800, $0x200038;
	[tilespmem:$0x12180] =	vst v63  }
0xc1: {  	s3 =	simm.s32 @p1 $0x1;
	_ =	strace @p1 $0x9000004D;
	p1 =	seq.s32 s19, $0x0  }
0xc2: {  	s1 =	sand.u32 @!p1 $0x1, s21  }
0xc3: {  	_ =	strace @!p1 $0x8000004E;
	s1 =	sadd.s32 @!p1 $0x3, s1  }
0xc4: {  	_ =	swait.ge @!p1 [sflag:s1], $0x800  }
0xc5: {  	s2 =	simm.s32 $0x1;
	[sflag:s1] =	ssyncset.done @!p1 $0x0  }
0xc6: {  	s2 =	simm.s32 @!p0 $0x0;
	[sflag:s1] =	ssyncadd.s32 @!p1 $0xFFFFF800  }
0xc7: {  	s19 =	sadd.s32 $0x1, s19;
	s1 =	sand.u32 @!p1 $0x1, s13;
	_ =	strace @!p1 $0x9000004E  }
0xc8: {  	p0 =	sne.s32 s19, $0x4;
	s1 =	sadd.s32 @!p1 $0x5, s1;
	_ =	strace @!p1 $0x8000004F  }
.Ltmp1:
0xc9: {  	_ =	swait.ge @!p1 [sflag:s1], $0x800;
	(pc) =	sbr.rel @p0 .LBB2_2-.Ltmp1, $4  }
0xca: {  	s15 =	sadd.s32 s15, s3;
	[sflag:s1] =	ssyncset.done @!p1 $0x0  }
0xcb: {  	s17 =	sadd.s32 s17, s3;
	[sflag:s1] =	ssyncadd.s32 @!p1 $0xFFFFF800;
	s1 =	simm.s32 @!p1 $0x1  }
0xcc: {  	s18 =	sadd.s32 s2, s18;
	s2 =	sadd.s32 @!p1 $0x1, s21;
	s1 =	simm.s32 @p1 $0x0  }
0xcd: {  	s2 =	smov.u32 @p1 s21;
	_ =	strace @!p1 $0x9000004F;
	s13 =	sadd.s32 s13, s1  }
0xce: {  	s1 =	sand.u32 $0x1, s2  }
0xcf: {  	_ =	strace $0x80000050;
	s1 =	sadd.s32 $0x3, s1  }
0xd0: {  	s12 =	sadd.s32 $0x1, s12;
	_ =	swait.ge [sflag:s1], $0x800  }
0xd1: {  	s30 =	sand.u32 $0x1, s13;
	p0 =	sne.s32 s12, s9;
	[sflag:s1] =	ssyncset.done $0x0  }
.Ltmp2:
0xd2: {  	s31 =	sadd.s32 $0x5, s30;
	[sflag:s1] =	ssyncadd.s32 $0xFFFFF800;
	(pc) =	sbr.rel @p0 .LBB2_1-.Ltmp2, $4  }
0xd3: {  	_ =	swait.ge [sflag:s31], $0x800  }
0xd4: {  	[sflag:s31] =	ssyncset.done $0x0  }
0xd5: {  	[sflag:s31] =	ssyncadd.s32 $0xFFFFF800  }
0xd6: {  	_ =	strace $0x90000050  }
0xd7: {  	_ =	sfence.sel $0x180000  }
0xd8: {  	[bflag:$0x0] =	sbarrier.arrive $0xFFFF  }
0xd9: {  	_ =	strace $0x90000047  }
0xda: {  	s0 =	stileid.u32;
	[bflag:$0x2] =	sbarrier.arrive $0xFFFF  }
0xdb: {  	p0 =	sne.s32 s0, $0x0;
	s0 =	rddreg [dreg:$0x3]  }
0xdc: {  	s0 =	sadd.s32 @!p0 $0x100000, s0  }
0xdd: {  	[sflag:s0] =	ssyncadd.tile.s32 @!p0 $0x1;
	_ =	shalt  }
.Lfunc_end2:
_tile_overlayer_lowered:
.L_overlay_start_2:
0xde: {  	(tag) =	ssettag $0x2  }
0xdf: {  	s0 =	rddreg [dreg:$0x0];
	s2 =	stileid.u32  }
0xe0: {  	s1 =	rddreg [dreg:$0x1];
	p0 =	sne.s32 s2, $0x0  }
0xe1: {  	s3 =	rddreg [dreg:$0x2];
	[bflag:$0x3] =	sbarrier.arrive $0xFFFF;
	s2 =	simm.s32 @!p0 $0x1C01  }
0xe2: {  	[timem:s3], [sflag:s2] =	dma.local @!p0 [hbm:s0], s1  }
0xe3: {  	s0 =	simm.s32 @!p0 $0x1  }
0xe4: {  	_ =	swait.ge @!p0 [sflag:s0], s1  }
0xe5: {  	s1 =	ssub.s32 @!p0 $0x0, s1;
	[sflag:s0] =	ssyncset.done @!p0 $0x0  }
0xe6: {  	[sflag:s0] =	ssyncadd.s32 @!p0 s1  }
0xe7: {  	[bflag:$0x3] =	sbarrier.arrive $0xFFFF  }
0xe8: {  	_ =	shalt  }

</sc_bundles>
